<compile_context>
chip_gen: v7x
topology: tpu7x:2x2x1
jax: 0.10.2.dev20260603
libtpu: 0.0.44.dev20260713+nightly
codegen_flags: <defaults>
</compile_context>

<pallas_src>
import jax
import jax.numpy as jnp
from jax import lax
from jax.experimental import pallas as pl
from jax.experimental.pallas import tpu as pltpu
from jax.experimental.pallas import tpu_sc as plsc

VOCAB = 100000
EMBED_DIM = 128
BATCH = 4096
HIST = 50

_INFO = plsc.get_sparse_core_info()
NC = _INFO.num_cores
NS = _INFO.num_subcores
NW = NC * NS

BPW = BATCH // NW
CPW = HIST
NBUF = 7


def _gather_body(tokens_hbm, table_hbm, out_hbm, idx_v, bufs, *sems):
    gsems = sems[:NBUF]
    wsems = sems[NBUF:]
    wid = lax.axis_index("s") * NC + lax.axis_index("c")
    c0 = wid * BPW
    pltpu.sync_copy(tokens_hbm.at[:, pl.ds(c0, BPW)], idx_v)

    def g_start(j, b):
        pltpu.async_copy(table_hbm.at[idx_v.at[j]], bufs.at[b], gsems[b])

    def g_wait(j, b):
        pltpu.make_async_copy(table_hbm.at[idx_v.at[j]], bufs.at[b], gsems[b]).wait()

    def w_start(j, b):
        pltpu.async_copy(bufs.at[b], out_hbm.at[j, pl.ds(c0, BPW)], wsems[b])

    def w_wait(j, b):
        pltpu.make_async_copy(bufs.at[b], out_hbm.at[j, pl.ds(c0, BPW)], wsems[b]).wait()

    for b in range(NBUF - 1):
        g_start(b, b)

    def chunk_step(t, b):
        j = NBUF * t + b
        bp = (b - 1) % NBUF
        g_wait(j, b)
        w_start(j, b)

        def advance():
            w_wait(j - 1, bp)
            if isinstance(j, int):
                if j + NBUF - 1 < CPW:
                    g_start(j + NBUF - 1, bp)
            else:
                @pl.when(j + NBUF - 1 < CPW)
                def _():
                    g_start(j + NBUF - 1, bp)

        if b == 0 and isinstance(t, int):
            advance()
        elif b == 0:
            @pl.when(t > 0)
            def _():
                advance()

            @pl.when(t == 0)
            def _():
                g_start(j + NBUF - 1, bp)
        else:
            advance()

    def outer(t, carry):
        for b in range(NBUF):
            chunk_step(t, b)
        return carry

    n_full = CPW // NBUF
    lax.fori_loop(0, n_full, outer, 0)
    for b in range(CPW % NBUF):
        chunk_step(n_full, b)
    w_wait(CPW - 1, (CPW - 1) % NBUF)


@jax.jit
def kernel(tokens, parameters):
    mesh = plsc.VectorSubcoreMesh(core_axis_name="c", subcore_axis_name="s")
    out_t = pl.kernel(
        _gather_body,
        out_type=jax.ShapeDtypeStruct((HIST, BATCH, EMBED_DIM), jnp.float32),
        mesh=mesh,
        scratch_types=[
            pltpu.VMEM((HIST, BPW), jnp.int32),
            pltpu.VMEM((NBUF, BPW, EMBED_DIM), jnp.float32),
        ] + [pltpu.SemaphoreType.DMA] * (2 * NBUF),
    )(tokens.astype(jnp.int32).T, parameters)
    return out_t.transpose(1, 0, 2)

# --- scband reference (transcript-rebuilt; emitter-appended) ---
"""Pipeline reference for scband-embedding-layer-41558103556160 (READ-ONLY COPY).

The authoritative reference and input builder live on the scoring server;
editing this copy changes nothing except your own understanding.
"""

import jax, jax.numpy as jnp
import numpy as np

VOCAB = 100000
EMBED_DIM = 128
BATCH = 4096
HIST = 50

def setup_inputs(seed: int = 0) -> dict:
    key = jax.random.key(seed)
    k1, k2 = jax.random.split(key)
    tokens = jax.random.randint(k1, (BATCH, HIST), 0, VOCAB, dtype=jnp.int64 if jax.config.jax_enable_x64 else jnp.int32)
    parameters = jax.random.normal(k2, (VOCAB, EMBED_DIM), dtype=jnp.float32)
    return {"tokens": tokens, "parameters": parameters}

def reference(tokens, parameters):
    # EmbeddingLayer wrapper: forward(tokens, parameters) delegates to the wrapped
    # embedding layer: an embedding-table row gather.
    # parameters: float32[VOCAB, EMBED_DIM] embedding table (passed at call time)
    # tokens: int[BATCH, HIST] indices into the table
    out = jnp.take(parameters, tokens, axis=0)  # [BATCH, HIST, EMBED_DIM]
    return out

if __name__ == "__main__":
    import jax
    _d = setup_inputs()
    print(jax.jit(kernel)(*tuple(_d.values())))

</pallas_src>

<mosaic_0001>
#map = affine_map<(d0, d1) -> (0, 0)>
#map1 = affine_map<(d0, d1) -> (0, 0, 0)>
module attributes {stable_mosaic.version = 14 : i64} {
  func.func @_gather_body(%arg0: i32, %arg1: i32, %arg2: memref<50x4096xi32, #tpu.memory_space<hbm>>, %arg3: memref<100000x128xf32, #tpu.memory_space<hbm>>, %arg4: memref<50x4096x128xf32, #tpu.memory_space<hbm>>, %arg5: memref<50x128xi32, #tpu.memory_space<vmem>>, %arg6: memref<7x128x128xf32, #tpu.memory_space<vmem>>, %arg7: memref<!tpu.dma_semaphore, #tpu.memory_space<semaphore_mem>>, %arg8: memref<!tpu.dma_semaphore, #tpu.memory_space<semaphore_mem>>, %arg9: memref<!tpu.dma_semaphore, #tpu.memory_space<semaphore_mem>>, %arg10: memref<!tpu.dma_semaphore, #tpu.memory_space<semaphore_mem>>, %arg11: memref<!tpu.dma_semaphore, #tpu.memory_space<semaphore_mem>>, %arg12: memref<!tpu.dma_semaphore, #tpu.memory_space<semaphore_mem>>, %arg13: memref<!tpu.dma_semaphore, #tpu.memory_space<semaphore_mem>>, %arg14: memref<!tpu.dma_semaphore, #tpu.memory_space<semaphore_mem>>, %arg15: memref<!tpu.dma_semaphore, #tpu.memory_space<semaphore_mem>>, %arg16: memref<!tpu.dma_semaphore, #tpu.memory_space<semaphore_mem>>, %arg17: memref<!tpu.dma_semaphore, #tpu.memory_space<semaphore_mem>>, %arg18: memref<!tpu.dma_semaphore, #tpu.memory_space<semaphore_mem>>, %arg19: memref<!tpu.dma_semaphore, #tpu.memory_space<semaphore_mem>>, %arg20: memref<!tpu.dma_semaphore, #tpu.memory_space<semaphore_mem>>) attributes {dimension_semantics = [#tpu.dimension_semantics<core_parallel>, #tpu.dimension_semantics<subcore_parallel>], iteration_bounds = array<i64: 2, 16>, scalar_prefetch = 0 : i64, scratch_operands = 16 : i64, tpu.core_type = #tpu.core_type<sc_vector_subcore>, window_params = [{transform_indices = #map}, {transform_indices = #map}, {transform_indices = #map1}]} {
    %mul3A = arith.constant 2 : i32
    %mul3A_0 = arith.muli %arg1, %mul3A : i32
    %add3A = arith.addi %mul3A_0, %arg0 : i32
    %mul3A_1 = arith.constant 128 : i32
    %mul3A_2 = arith.muli %add3A, %mul3A_1 : i32
    "tpu.region"() ({
      %run_scoped3A = tpu.sem_alloc : memref<!tpu.dma_semaphore, #tpu.memory_space<semaphore_mem>>
      %dma_start3A_138 = arith.constant 0 : i32
      %dma_start3A_139 = tpu.memref_slice %arg2[%dma_start3A_138, %mul3A_2] : memref<50x4096xi32, #tpu.memory_space<hbm>> -> memref<50x128xi32, #tpu.memory_space<hbm>>
      %dma_start3A_140 = arith.constant 0 : i32
      %dma_start3A_141 = tpu.memref_slice %arg2[%dma_start3A_140, %mul3A_2] : memref<50x4096xi32, #tpu.memory_space<hbm>> -> memref<50x128xi32, #tpu.memory_space<hbm>>
      tpu.enqueue_dma source(%dma_start3A_141 : memref<50x128xi32, #tpu.memory_space<hbm>>) target(%arg5 : memref<50x128xi32, #tpu.memory_space<vmem>>) target_semaphore(%run_scoped3A : memref<!tpu.dma_semaphore, #tpu.memory_space<semaphore_mem>>)
      %dma_wait3A_142 = arith.constant 0 : i32
      %dma_wait3A_143 = tpu.memref_slice %arg2[%dma_wait3A_142, %mul3A_2] : memref<50x4096xi32, #tpu.memory_space<hbm>> -> memref<50x128xi32, #tpu.memory_space<hbm>>
      %dma_wait3A_144 = arith.constant 0 : i32
      %dma_wait3A_145 = tpu.memref_slice %arg2[%dma_wait3A_144, %mul3A_2] : memref<50x4096xi32, #tpu.memory_space<hbm>> -> memref<50x128xi32, #tpu.memory_space<hbm>>
      tpu.wait_dma2 semaphore(%run_scoped3A : memref<!tpu.dma_semaphore, #tpu.memory_space<semaphore_mem>>) src(%dma_wait3A_145 : memref<50x128xi32, #tpu.memory_space<hbm>>) dst(%arg5 : memref<50x128xi32, #tpu.memory_space<vmem>>)
      tpu.yield
    }) : () -> ()
    %dma_start3A = arith.constant 0 : i32
    %dma_start3A_3 = arith.constant 0 : i32
    %dma_start3A_4 = arith.constant 0 : i32
    %dma_start3A_5 = arith.constant 0 : i32
    %dma_start3A_6 = tpu.memref_slice %arg6[%dma_start3A_3, %dma_start3A_4, %dma_start3A_5] : memref<7x128x128xf32, #tpu.memory_space<vmem>> -> memref<1x128x128xf32, #tpu.memory_space<vmem>>
    %dma_start3A_7 = tpu.memref_squeeze %dma_start3A_6 : memref<1x128x128xf32, #tpu.memory_space<vmem>> -> memref<128x128xf32, #tpu.memory_space<vmem>>
    %dma_start3A_8 = arith.constant 0 : i32
    %dma_start3A_9 = tpu.memref_slice %arg5[%dma_start3A, %dma_start3A_8] : memref<50x128xi32, #tpu.memory_space<vmem>> -> memref<1x128xi32, #tpu.memory_space<vmem>>
    %dma_start3A_10 = tpu.memref_squeeze %dma_start3A_9 : memref<1x128xi32, #tpu.memory_space<vmem>> -> memref<128xi32, #tpu.memory_space<vmem>>
    %dma_start3A_11 = arith.constant 0 : i32
    %dma_start3A_12 = arith.constant 0 : i32
    %dma_start3A_13 = tpu.memref_slice %arg3[%dma_start3A_11, %dma_start3A_12] : memref<100000x128xf32, #tpu.memory_space<hbm>> -> memref<100000x128xf32, #tpu.memory_space<hbm>>
    tpu.enqueue_indirect_dma source(%dma_start3A_13 : memref<100000x128xf32, #tpu.memory_space<hbm>>) target(%dma_start3A_7 : memref<128x128xf32, #tpu.memory_space<vmem>>) offsets(%dma_start3A_10 : memref<128xi32, #tpu.memory_space<vmem>>) semaphore(%arg7 : memref<!tpu.dma_semaphore, #tpu.memory_space<semaphore_mem>>)
    %dma_start3A_14 = arith.constant 1 : i32
    %dma_start3A_15 = arith.constant 1 : i32
    %dma_start3A_16 = arith.constant 0 : i32
    %dma_start3A_17 = arith.constant 0 : i32
    %dma_start3A_18 = tpu.memref_slice %arg6[%dma_start3A_15, %dma_start3A_16, %dma_start3A_17] : memref<7x128x128xf32, #tpu.memory_space<vmem>> -> memref<1x128x128xf32, #tpu.memory_space<vmem>>
    %dma_start3A_19 = tpu.memref_squeeze %dma_start3A_18 : memref<1x128x128xf32, #tpu.memory_space<vmem>> -> memref<128x128xf32, #tpu.memory_space<vmem>>
    %dma_start3A_20 = arith.constant 0 : i32
    %dma_start3A_21 = tpu.memref_slice %arg5[%dma_start3A_14, %dma_start3A_20] : memref<50x128xi32, #tpu.memory_space<vmem>> -> memref<1x128xi32, #tpu.memory_space<vmem>>
    %dma_start3A_22 = tpu.memref_squeeze %dma_start3A_21 : memref<1x128xi32, #tpu.memory_space<vmem>> -> memref<128xi32, #tpu.memory_space<vmem>>
    %dma_start3A_23 = arith.constant 0 : i32
    %dma_start3A_24 = arith.constant 0 : i32
    %dma_start3A_25 = tpu.memref_slice %arg3[%dma_start3A_23, %dma_start3A_24] : memref<100000x128xf32, #tpu.memory_space<hbm>> -> memref<100000x128xf32, #tpu.memory_space<hbm>>
    tpu.enqueue_indirect_dma source(%dma_start3A_25 : memref<100000x128xf32, #tpu.memory_space<hbm>>) target(%dma_start3A_19 : memref<128x128xf32, #tpu.memory_space<vmem>>) offsets(%dma_start3A_22 : memref<128xi32, #tpu.memory_space<vmem>>) semaphore(%arg8 : memref<!tpu.dma_semaphore, #tpu.memory_space<semaphore_mem>>)
    %dma_start3A_26 = arith.constant 2 : i32
    %dma_start3A_27 = arith.constant 2 : i32
    %dma_start3A_28 = arith.constant 0 : i32
    %dma_start3A_29 = arith.constant 0 : i32
    %dma_start3A_30 = tpu.memref_slice %arg6[%dma_start3A_27, %dma_start3A_28, %dma_start3A_29] : memref<7x128x128xf32, #tpu.memory_space<vmem>> -> memref<1x128x128xf32, #tpu.memory_space<vmem>>
    %dma_start3A_31 = tpu.memref_squeeze %dma_start3A_30 : memref<1x128x128xf32, #tpu.memory_space<vmem>> -> memref<128x128xf32, #tpu.memory_space<vmem>>
    %dma_start3A_32 = arith.constant 0 : i32
    %dma_start3A_33 = tpu.memref_slice %arg5[%dma_start3A_26, %dma_start3A_32] : memref<50x128xi32, #tpu.memory_space<vmem>> -> memref<1x128xi32, #tpu.memory_space<vmem>>
    %dma_start3A_34 = tpu.memref_squeeze %dma_start3A_33 : memref<1x128xi32, #tpu.memory_space<vmem>> -> memref<128xi32, #tpu.memory_space<vmem>>
    %dma_start3A_35 = arith.constant 0 : i32
    %dma_start3A_36 = arith.constant 0 : i32
    %dma_start3A_37 = tpu.memref_slice %arg3[%dma_start3A_35, %dma_start3A_36] : memref<100000x128xf32, #tpu.memory_space<hbm>> -> memref<100000x128xf32, #tpu.memory_space<hbm>>
    tpu.enqueue_indirect_dma source(%dma_start3A_37 : memref<100000x128xf32, #tpu.memory_space<hbm>>) target(%dma_start3A_31 : memref<128x128xf32, #tpu.memory_space<vmem>>) offsets(%dma_start3A_34 : memref<128xi32, #tpu.memory_space<vmem>>) semaphore(%arg9 : memref<!tpu.dma_semaphore, #tpu.memory_space<semaphore_mem>>)
    %dma_start3A_38 = arith.constant 3 : i32
    %dma_start3A_39 = arith.constant 3 : i32
    %dma_start3A_40 = arith.constant 0 : i32
    %dma_start3A_41 = arith.constant 0 : i32
    %dma_start3A_42 = tpu.memref_slice %arg6[%dma_start3A_39, %dma_start3A_40, %dma_start3A_41] : memref<7x128x128xf32, #tpu.memory_space<vmem>> -> memref<1x128x128xf32, #tpu.memory_space<vmem>>
    %dma_start3A_43 = tpu.memref_squeeze %dma_start3A_42 : memref<1x128x128xf32, #tpu.memory_space<vmem>> -> memref<128x128xf32, #tpu.memory_space<vmem>>
    %dma_start3A_44 = arith.constant 0 : i32
    %dma_start3A_45 = tpu.memref_slice %arg5[%dma_start3A_38, %dma_start3A_44] : memref<50x128xi32, #tpu.memory_space<vmem>> -> memref<1x128xi32, #tpu.memory_space<vmem>>
    %dma_start3A_46 = tpu.memref_squeeze %dma_start3A_45 : memref<1x128xi32, #tpu.memory_space<vmem>> -> memref<128xi32, #tpu.memory_space<vmem>>
    %dma_start3A_47 = arith.constant 0 : i32
    %dma_start3A_48 = arith.constant 0 : i32
    %dma_start3A_49 = tpu.memref_slice %arg3[%dma_start3A_47, %dma_start3A_48] : memref<100000x128xf32, #tpu.memory_space<hbm>> -> memref<100000x128xf32, #tpu.memory_space<hbm>>
    tpu.enqueue_indirect_dma source(%dma_start3A_49 : memref<100000x128xf32, #tpu.memory_space<hbm>>) target(%dma_start3A_43 : memref<128x128xf32, #tpu.memory_space<vmem>>) offsets(%dma_start3A_46 : memref<128xi32, #tpu.memory_space<vmem>>) semaphore(%arg10 : memref<!tpu.dma_semaphore, #tpu.memory_space<semaphore_mem>>)
    %dma_start3A_50 = arith.constant 4 : i32
    %dma_start3A_51 = arith.constant 4 : i32
    %dma_start3A_52 = arith.constant 0 : i32
    %dma_start3A_53 = arith.constant 0 : i32
    %dma_start3A_54 = tpu.memref_slice %arg6[%dma_start3A_51, %dma_start3A_52, %dma_start3A_53] : memref<7x128x128xf32, #tpu.memory_space<vmem>> -> memref<1x128x128xf32, #tpu.memory_space<vmem>>
    %dma_start3A_55 = tpu.memref_squeeze %dma_start3A_54 : memref<1x128x128xf32, #tpu.memory_space<vmem>> -> memref<128x128xf32, #tpu.memory_space<vmem>>
    %dma_start3A_56 = arith.constant 0 : i32
    %dma_start3A_57 = tpu.memref_slice %arg5[%dma_start3A_50, %dma_start3A_56] : memref<50x128xi32, #tpu.memory_space<vmem>> -> memref<1x128xi32, #tpu.memory_space<vmem>>
    %dma_start3A_58 = tpu.memref_squeeze %dma_start3A_57 : memref<1x128xi32, #tpu.memory_space<vmem>> -> memref<128xi32, #tpu.memory_space<vmem>>
    %dma_start3A_59 = arith.constant 0 : i32
    %dma_start3A_60 = arith.constant 0 : i32
    %dma_start3A_61 = tpu.memref_slice %arg3[%dma_start3A_59, %dma_start3A_60] : memref<100000x128xf32, #tpu.memory_space<hbm>> -> memref<100000x128xf32, #tpu.memory_space<hbm>>
    tpu.enqueue_indirect_dma source(%dma_start3A_61 : memref<100000x128xf32, #tpu.memory_space<hbm>>) target(%dma_start3A_55 : memref<128x128xf32, #tpu.memory_space<vmem>>) offsets(%dma_start3A_58 : memref<128xi32, #tpu.memory_space<vmem>>) semaphore(%arg11 : memref<!tpu.dma_semaphore, #tpu.memory_space<semaphore_mem>>)
    %dma_start3A_62 = arith.constant 5 : i32
    %dma_start3A_63 = arith.constant 5 : i32
    %dma_start3A_64 = arith.constant 0 : i32
    %dma_start3A_65 = arith.constant 0 : i32
    %dma_start3A_66 = tpu.memref_slice %arg6[%dma_start3A_63, %dma_start3A_64, %dma_start3A_65] : memref<7x128x128xf32, #tpu.memory_space<vmem>> -> memref<1x128x128xf32, #tpu.memory_space<vmem>>
    %dma_start3A_67 = tpu.memref_squeeze %dma_start3A_66 : memref<1x128x128xf32, #tpu.memory_space<vmem>> -> memref<128x128xf32, #tpu.memory_space<vmem>>
    %dma_start3A_68 = arith.constant 0 : i32
    %dma_start3A_69 = tpu.memref_slice %arg5[%dma_start3A_62, %dma_start3A_68] : memref<50x128xi32, #tpu.memory_space<vmem>> -> memref<1x128xi32, #tpu.memory_space<vmem>>
    %dma_start3A_70 = tpu.memref_squeeze %dma_start3A_69 : memref<1x128xi32, #tpu.memory_space<vmem>> -> memref<128xi32, #tpu.memory_space<vmem>>
    %dma_start3A_71 = arith.constant 0 : i32
    %dma_start3A_72 = arith.constant 0 : i32
    %dma_start3A_73 = tpu.memref_slice %arg3[%dma_start3A_71, %dma_start3A_72] : memref<100000x128xf32, #tpu.memory_space<hbm>> -> memref<100000x128xf32, #tpu.memory_space<hbm>>
    tpu.enqueue_indirect_dma source(%dma_start3A_73 : memref<100000x128xf32, #tpu.memory_space<hbm>>) target(%dma_start3A_67 : memref<128x128xf32, #tpu.memory_space<vmem>>) offsets(%dma_start3A_70 : memref<128xi32, #tpu.memory_space<vmem>>) semaphore(%arg12 : memref<!tpu.dma_semaphore, #tpu.memory_space<semaphore_mem>>)
    %scan3A = arith.constant 0 : i32
    %scan3A_74 = arith.constant 0 : i32
    %scan3A_75 = arith.constant 7 : i32
    %scan3A_76 = arith.addi %scan3A_74, %scan3A_75 : i32
    %scan3A_77 = arith.constant 1 : i32
    scf.for %scan3A_138 = %scan3A_74 to %scan3A_76 step %scan3A_77  : i32 {
      %mul3A_139 = arith.constant 7 : i32
      %mul3A_140 = arith.muli %mul3A_139, %scan3A_138 : i32
      %add3A_141 = arith.constant 0 : i32
      %add3A_142 = arith.addi %mul3A_140, %add3A_141 : i32
      %dma_wait3A_143 = arith.constant 0 : i32
      %dma_wait3A_144 = arith.constant 0 : i32
      %dma_wait3A_145 = arith.constant 0 : i32
      %dma_wait3A_146 = tpu.memref_slice %arg6[%dma_wait3A_143, %dma_wait3A_144, %dma_wait3A_145] : memref<7x128x128xf32, #tpu.memory_space<vmem>> -> memref<1x128x128xf32, #tpu.memory_space<vmem>>
      %dma_wait3A_147 = tpu.memref_squeeze %dma_wait3A_146 : memref<1x128x128xf32, #tpu.memory_space<vmem>> -> memref<128x128xf32, #tpu.memory_space<vmem>>
      %dma_wait3A_148 = arith.constant 0 : i32
      %dma_wait3A_149 = tpu.memref_slice %arg5[%add3A_142, %dma_wait3A_148] : memref<50x128xi32, #tpu.memory_space<vmem>> -> memref<1x128xi32, #tpu.memory_space<vmem>>
      %dma_wait3A_150 = tpu.memref_squeeze %dma_wait3A_149 : memref<1x128xi32, #tpu.memory_space<vmem>> -> memref<128xi32, #tpu.memory_space<vmem>>
      %dma_wait3A_151 = arith.constant 0 : i32
      %dma_wait3A_152 = arith.constant 0 : i32
      %dma_wait3A_153 = tpu.memref_slice %arg3[%dma_wait3A_151, %dma_wait3A_152] : memref<100000x128xf32, #tpu.memory_space<hbm>> -> memref<100000x128xf32, #tpu.memory_space<hbm>>
      tpu.wait_indirect_dma semaphore(%arg7 : memref<!tpu.dma_semaphore, #tpu.memory_space<semaphore_mem>>) src(%dma_wait3A_153 : memref<100000x128xf32, #tpu.memory_space<hbm>>) dst(%dma_wait3A_147 : memref<128x128xf32, #tpu.memory_space<vmem>>)
      %dma_start3A_154 = arith.constant 0 : i32
      %dma_start3A_155 = arith.constant 0 : i32
      %dma_start3A_156 = arith.constant 0 : i32
      %dma_start3A_157 = tpu.memref_slice %arg6[%dma_start3A_154, %dma_start3A_155, %dma_start3A_156] : memref<7x128x128xf32, #tpu.memory_space<vmem>> -> memref<1x128x128xf32, #tpu.memory_space<vmem>>
      %dma_start3A_158 = tpu.memref_squeeze %dma_start3A_157 : memref<1x128x128xf32, #tpu.memory_space<vmem>> -> memref<128x128xf32, #tpu.memory_space<vmem>>
      %dma_start3A_159 = arith.constant 0 : i32
      %dma_start3A_160 = tpu.memref_slice %arg4[%add3A_142, %mul3A_2, %dma_start3A_159] : memref<50x4096x128xf32, #tpu.memory_space<hbm>> -> memref<1x128x128xf32, #tpu.memory_space<hbm>>
      %dma_start3A_161 = tpu.memref_squeeze %dma_start3A_160 : memref<1x128x128xf32, #tpu.memory_space<hbm>> -> memref<128x128xf32, #tpu.memory_space<hbm>>
      %dma_start3A_162 = arith.constant 0 : i32
      %dma_start3A_163 = tpu.memref_slice %arg4[%add3A_142, %mul3A_2, %dma_start3A_162] : memref<50x4096x128xf32, #tpu.memory_space<hbm>> -> memref<1x128x128xf32, #tpu.memory_space<hbm>>
      %dma_start3A_164 = tpu.memref_squeeze %dma_start3A_163 : memref<1x128x128xf32, #tpu.memory_space<hbm>> -> memref<128x128xf32, #tpu.memory_space<hbm>>
      %dma_start3A_165 = arith.constant 0 : i32
      %dma_start3A_166 = arith.constant 0 : i32
      %dma_start3A_167 = tpu.memref_slice %arg6[%dma_start3A_154, %dma_start3A_165, %dma_start3A_166] : memref<7x128x128xf32, #tpu.memory_space<vmem>> -> memref<1x128x128xf32, #tpu.memory_space<vmem>>
      %dma_start3A_168 = tpu.memref_squeeze %dma_start3A_167 : memref<1x128x128xf32, #tpu.memory_space<vmem>> -> memref<128x128xf32, #tpu.memory_space<vmem>>
      tpu.enqueue_dma source(%dma_start3A_168 : memref<128x128xf32, #tpu.memory_space<vmem>>) target(%dma_start3A_164 : memref<128x128xf32, #tpu.memory_space<hbm>>) target_semaphore(%arg14 : memref<!tpu.dma_semaphore, #tpu.memory_space<semaphore_mem>>)
      %gt3A = arith.constant 0 : i32
      %gt3A_169 = arith.cmpi sgt, %scan3A_138, %gt3A : i32
      %convert_element_type3A = arith.extui %gt3A_169 : i1 to i32
      %cond3A = arith.constant 0 : i32
      %cond3A_170 = arith.cmpi ne, %convert_element_type3A, %cond3A : i32
      scf.if %cond3A_170 {
        %sub3A_509 = arith.constant 1 : i32
        %sub3A_510 = arith.subi %add3A_142, %sub3A_509 : i32
        %dma_wait3A_511 = arith.constant 6 : i32
        %dma_wait3A_512 = arith.constant 0 : i32
        %dma_wait3A_513 = arith.constant 0 : i32
        %dma_wait3A_514 = tpu.memref_slice %arg6[%dma_wait3A_511, %dma_wait3A_512, %dma_wait3A_513] : memref<7x128x128xf32, #tpu.memory_space<vmem>> -> memref<1x128x128xf32, #tpu.memory_space<vmem>>
        %dma_wait3A_515 = tpu.memref_squeeze %dma_wait3A_514 : memref<1x128x128xf32, #tpu.memory_space<vmem>> -> memref<128x128xf32, #tpu.memory_space<vmem>>
        %dma_wait3A_516 = arith.constant 0 : i32
        %dma_wait3A_517 = tpu.memref_slice %arg4[%sub3A_510, %mul3A_2, %dma_wait3A_516] : memref<50x4096x128xf32, #tpu.memory_space<hbm>> -> memref<1x128x128xf32, #tpu.memory_space<hbm>>
        %dma_wait3A_518 = tpu.memref_squeeze %dma_wait3A_517 : memref<1x128x128xf32, #tpu.memory_space<hbm>> -> memref<128x128xf32, #tpu.memory_space<hbm>>
        %dma_wait3A_519 = arith.constant 0 : i32
        %dma_wait3A_520 = tpu.memref_slice %arg4[%sub3A_510, %mul3A_2, %dma_wait3A_519] : memref<50x4096x128xf32, #tpu.memory_space<hbm>> -> memref<1x128x128xf32, #tpu.memory_space<hbm>>
        %dma_wait3A_521 = tpu.memref_squeeze %dma_wait3A_520 : memref<1x128x128xf32, #tpu.memory_space<hbm>> -> memref<128x128xf32, #tpu.memory_space<hbm>>
        %dma_wait3A_522 = arith.constant 0 : i32
        %dma_wait3A_523 = arith.constant 0 : i32
        %dma_wait3A_524 = tpu.memref_slice %arg6[%dma_wait3A_511, %dma_wait3A_522, %dma_wait3A_523] : memref<7x128x128xf32, #tpu.memory_space<vmem>> -> memref<1x128x128xf32, #tpu.memory_space<vmem>>
        %dma_wait3A_525 = tpu.memref_squeeze %dma_wait3A_524 : memref<1x128x128xf32, #tpu.memory_space<vmem>> -> memref<128x128xf32, #tpu.memory_space<vmem>>
        tpu.wait_dma2 semaphore(%arg20 : memref<!tpu.dma_semaphore, #tpu.memory_space<semaphore_mem>>) src(%dma_wait3A_525 : memref<128x128xf32, #tpu.memory_space<vmem>>) dst(%dma_wait3A_521 : memref<128x128xf32, #tpu.memory_space<hbm>>)
        %add3A_526 = arith.constant 7 : i32
        %add3A_527 = arith.addi %add3A_142, %add3A_526 : i32
        %sub3A_528 = arith.constant 1 : i32
        %sub3A_529 = arith.subi %add3A_527, %sub3A_528 : i32
        %lt3A_530 = arith.constant 50 : i32
        %lt3A_531 = arith.cmpi slt, %sub3A_529, %lt3A_530 : i32
        %convert_element_type3A_532 = arith.extui %lt3A_531 : i1 to i32
        %cond3A_533 = arith.constant 0 : i32
        %cond3A_534 = arith.cmpi ne, %convert_element_type3A_532, %cond3A_533 : i32
        scf.if %cond3A_534 {
          %add3A_535 = arith.constant 7 : i32
          %add3A_536 = arith.addi %add3A_142, %add3A_535 : i32
          %sub3A_537 = arith.constant 1 : i32
          %sub3A_538 = arith.subi %add3A_536, %sub3A_537 : i32
          %dma_start3A_539 = arith.constant 6 : i32
          %dma_start3A_540 = arith.constant 0 : i32
          %dma_start3A_541 = arith.constant 0 : i32
          %dma_start3A_542 = tpu.memref_slice %arg6[%dma_start3A_539, %dma_start3A_540, %dma_start3A_541] : memref<7x128x128xf32, #tpu.memory_space<vmem>> -> memref<1x128x128xf32, #tpu.memory_space<vmem>>
          %dma_start3A_543 = tpu.memref_squeeze %dma_start3A_542 : memref<1x128x128xf32, #tpu.memory_space<vmem>> -> memref<128x128xf32, #tpu.memory_space<vmem>>
          %dma_start3A_544 = arith.constant 0 : i32
          %dma_start3A_545 = tpu.memref_slice %arg5[%sub3A_538, %dma_start3A_544] : memref<50x128xi32, #tpu.memory_space<vmem>> -> memref<1x128xi32, #tpu.memory_space<vmem>>
          %dma_start3A_546 = tpu.memref_squeeze %dma_start3A_545 : memref<1x128xi32, #tpu.memory_space<vmem>> -> memref<128xi32, #tpu.memory_space<vmem>>
          %dma_start3A_547 = arith.constant 0 : i32
          %dma_start3A_548 = arith.constant 0 : i32
          %dma_start3A_549 = tpu.memref_slice %arg3[%dma_start3A_547, %dma_start3A_548] : memref<100000x128xf32, #tpu.memory_space<hbm>> -> memref<100000x128xf32, #tpu.memory_space<hbm>>
          tpu.enqueue_indirect_dma source(%dma_start3A_549 : memref<100000x128xf32, #tpu.memory_space<hbm>>) target(%dma_start3A_543 : memref<128x128xf32, #tpu.memory_space<vmem>>) offsets(%dma_start3A_546 : memref<128xi32, #tpu.memory_space<vmem>>) semaphore(%arg13 : memref<!tpu.dma_semaphore, #tpu.memory_space<semaphore_mem>>)
        } else {
        }
      } else {
      }
      %eq3A = arith.constant 0 : i32
      %eq3A_171 = arith.cmpi eq, %scan3A_138, %eq3A : i32
      %convert_element_type3A_172 = arith.extui %eq3A_171 : i1 to i32
      %cond3A_173 = arith.constant 0 : i32
      %cond3A_174 = arith.cmpi ne, %convert_element_type3A_172, %cond3A_173 : i32
      scf.if %cond3A_174 {
        %add3A_509 = arith.constant 7 : i32
        %add3A_510 = arith.addi %add3A_142, %add3A_509 : i32
        %sub3A_511 = arith.constant 1 : i32
        %sub3A_512 = arith.subi %add3A_510, %sub3A_511 : i32
        %dma_start3A_513 = arith.constant 6 : i32
        %dma_start3A_514 = arith.constant 0 : i32
        %dma_start3A_515 = arith.constant 0 : i32
        %dma_start3A_516 = tpu.memref_slice %arg6[%dma_start3A_513, %dma_start3A_514, %dma_start3A_515] : memref<7x128x128xf32, #tpu.memory_space<vmem>> -> memref<1x128x128xf32, #tpu.memory_space<vmem>>
        %dma_start3A_517 = tpu.memref_squeeze %dma_start3A_516 : memref<1x128x128xf32, #tpu.memory_space<vmem>> -> memref<128x128xf32, #tpu.memory_space<vmem>>
        %dma_start3A_518 = arith.constant 0 : i32
        %dma_start3A_519 = tpu.memref_slice %arg5[%sub3A_512, %dma_start3A_518] : memref<50x128xi32, #tpu.memory_space<vmem>> -> memref<1x128xi32, #tpu.memory_space<vmem>>
        %dma_start3A_520 = tpu.memref_squeeze %dma_start3A_519 : memref<1x128xi32, #tpu.memory_space<vmem>> -> memref<128xi32, #tpu.memory_space<vmem>>
        %dma_start3A_521 = arith.constant 0 : i32
        %dma_start3A_522 = arith.constant 0 : i32
        %dma_start3A_523 = tpu.memref_slice %arg3[%dma_start3A_521, %dma_start3A_522] : memref<100000x128xf32, #tpu.memory_space<hbm>> -> memref<100000x128xf32, #tpu.memory_space<hbm>>
        tpu.enqueue_indirect_dma source(%dma_start3A_523 : memref<100000x128xf32, #tpu.memory_space<hbm>>) target(%dma_start3A_517 : memref<128x128xf32, #tpu.memory_space<vmem>>) offsets(%dma_start3A_520 : memref<128xi32, #tpu.memory_space<vmem>>) semaphore(%arg13 : memref<!tpu.dma_semaphore, #tpu.memory_space<semaphore_mem>>)
      } else {
      }
      %mul3A_175 = arith.constant 7 : i32
      %mul3A_176 = arith.muli %mul3A_175, %scan3A_138 : i32
      %add3A_177 = arith.constant 1 : i32
      %add3A_178 = arith.addi %mul3A_176, %add3A_177 : i32
      %dma_wait3A_179 = arith.constant 1 : i32
      %dma_wait3A_180 = arith.constant 0 : i32
      %dma_wait3A_181 = arith.constant 0 : i32
      %dma_wait3A_182 = tpu.memref_slice %arg6[%dma_wait3A_179, %dma_wait3A_180, %dma_wait3A_181] : memref<7x128x128xf32, #tpu.memory_space<vmem>> -> memref<1x128x128xf32, #tpu.memory_space<vmem>>
      %dma_wait3A_183 = tpu.memref_squeeze %dma_wait3A_182 : memref<1x128x128xf32, #tpu.memory_space<vmem>> -> memref<128x128xf32, #tpu.memory_space<vmem>>
      %dma_wait3A_184 = arith.constant 0 : i32
      %dma_wait3A_185 = tpu.memref_slice %arg5[%add3A_178, %dma_wait3A_184] : memref<50x128xi32, #tpu.memory_space<vmem>> -> memref<1x128xi32, #tpu.memory_space<vmem>>
      %dma_wait3A_186 = tpu.memref_squeeze %dma_wait3A_185 : memref<1x128xi32, #tpu.memory_space<vmem>> -> memref<128xi32, #tpu.memory_space<vmem>>
      %dma_wait3A_187 = arith.constant 0 : i32
      %dma_wait3A_188 = arith.constant 0 : i32
      %dma_wait3A_189 = tpu.memref_slice %arg3[%dma_wait3A_187, %dma_wait3A_188] : memref<100000x128xf32, #tpu.memory_space<hbm>> -> memref<100000x128xf32, #tpu.memory_space<hbm>>
      tpu.wait_indirect_dma semaphore(%arg8 : memref<!tpu.dma_semaphore, #tpu.memory_space<semaphore_mem>>) src(%dma_wait3A_189 : memref<100000x128xf32, #tpu.memory_space<hbm>>) dst(%dma_wait3A_183 : memref<128x128xf32, #tpu.memory_space<vmem>>)
      %dma_start3A_190 = arith.constant 1 : i32
      %dma_start3A_191 = arith.constant 0 : i32
      %dma_start3A_192 = arith.constant 0 : i32
      %dma_start3A_193 = tpu.memref_slice %arg6[%dma_start3A_190, %dma_start3A_191, %dma_start3A_192] : memref<7x128x128xf32, #tpu.memory_space<vmem>> -> memref<1x128x128xf32, #tpu.memory_space<vmem>>
      %dma_start3A_194 = tpu.memref_squeeze %dma_start3A_193 : memref<1x128x128xf32, #tpu.memory_space<vmem>> -> memref<128x128xf32, #tpu.memory_space<vmem>>
      %dma_start3A_195 = arith.constant 0 : i32
      %dma_start3A_196 = tpu.memref_slice %arg4[%add3A_178, %mul3A_2, %dma_start3A_195] : memref<50x4096x128xf32, #tpu.memory_space<hbm>> -> memref<1x128x128xf32, #tpu.memory_space<hbm>>
      %dma_start3A_197 = tpu.memref_squeeze %dma_start3A_196 : memref<1x128x128xf32, #tpu.memory_space<hbm>> -> memref<128x128xf32, #tpu.memory_space<hbm>>
      %dma_start3A_198 = arith.constant 0 : i32
      %dma_start3A_199 = tpu.memref_slice %arg4[%add3A_178, %mul3A_2, %dma_start3A_198] : memref<50x4096x128xf32, #tpu.memory_space<hbm>> -> memref<1x128x128xf32, #tpu.memory_space<hbm>>
      %dma_start3A_200 = tpu.memref_squeeze %dma_start3A_199 : memref<1x128x128xf32, #tpu.memory_space<hbm>> -> memref<128x128xf32, #tpu.memory_space<hbm>>
      %dma_start3A_201 = arith.constant 0 : i32
      %dma_start3A_202 = arith.constant 0 : i32
      %dma_start3A_203 = tpu.memref_slice %arg6[%dma_start3A_190, %dma_start3A_201, %dma_start3A_202] : memref<7x128x128xf32, #tpu.memory_space<vmem>> -> memref<1x128x128xf32, #tpu.memory_space<vmem>>
      %dma_start3A_204 = tpu.memref_squeeze %dma_start3A_203 : memref<1x128x128xf32, #tpu.memory_space<vmem>> -> memref<128x128xf32, #tpu.memory_space<vmem>>
      tpu.enqueue_dma source(%dma_start3A_204 : memref<128x128xf32, #tpu.memory_space<vmem>>) target(%dma_start3A_200 : memref<128x128xf32, #tpu.memory_space<hbm>>) target_semaphore(%arg15 : memref<!tpu.dma_semaphore, #tpu.memory_space<semaphore_mem>>)
      %sub3A = arith.constant 1 : i32
      %sub3A_205 = arith.subi %add3A_178, %sub3A : i32
      %dma_wait3A_206 = arith.constant 0 : i32
      %dma_wait3A_207 = arith.constant 0 : i32
      %dma_wait3A_208 = arith.constant 0 : i32
      %dma_wait3A_209 = tpu.memref_slice %arg6[%dma_wait3A_206, %dma_wait3A_207, %dma_wait3A_208] : memref<7x128x128xf32, #tpu.memory_space<vmem>> -> memref<1x128x128xf32, #tpu.memory_space<vmem>>
      %dma_wait3A_210 = tpu.memref_squeeze %dma_wait3A_209 : memref<1x128x128xf32, #tpu.memory_space<vmem>> -> memref<128x128xf32, #tpu.memory_space<vmem>>
      %dma_wait3A_211 = arith.constant 0 : i32
      %dma_wait3A_212 = tpu.memref_slice %arg4[%sub3A_205, %mul3A_2, %dma_wait3A_211] : memref<50x4096x128xf32, #tpu.memory_space<hbm>> -> memref<1x128x128xf32, #tpu.memory_space<hbm>>
      %dma_wait3A_213 = tpu.memref_squeeze %dma_wait3A_212 : memref<1x128x128xf32, #tpu.memory_space<hbm>> -> memref<128x128xf32, #tpu.memory_space<hbm>>
      %dma_wait3A_214 = arith.constant 0 : i32
      %dma_wait3A_215 = tpu.memref_slice %arg4[%sub3A_205, %mul3A_2, %dma_wait3A_214] : memref<50x4096x128xf32, #tpu.memory_space<hbm>> -> memref<1x128x128xf32, #tpu.memory_space<hbm>>
      %dma_wait3A_216 = tpu.memref_squeeze %dma_wait3A_215 : memref<1x128x128xf32, #tpu.memory_space<hbm>> -> memref<128x128xf32, #tpu.memory_space<hbm>>
      %dma_wait3A_217 = arith.constant 0 : i32
      %dma_wait3A_218 = arith.constant 0 : i32
      %dma_wait3A_219 = tpu.memref_slice %arg6[%dma_wait3A_206, %dma_wait3A_217, %dma_wait3A_218] : memref<7x128x128xf32, #tpu.memory_space<vmem>> -> memref<1x128x128xf32, #tpu.memory_space<vmem>>
      %dma_wait3A_220 = tpu.memref_squeeze %dma_wait3A_219 : memref<1x128x128xf32, #tpu.memory_space<vmem>> -> memref<128x128xf32, #tpu.memory_space<vmem>>
      tpu.wait_dma2 semaphore(%arg14 : memref<!tpu.dma_semaphore, #tpu.memory_space<semaphore_mem>>) src(%dma_wait3A_220 : memref<128x128xf32, #tpu.memory_space<vmem>>) dst(%dma_wait3A_216 : memref<128x128xf32, #tpu.memory_space<hbm>>)
      %add3A_221 = arith.constant 7 : i32
      %add3A_222 = arith.addi %add3A_178, %add3A_221 : i32
      %sub3A_223 = arith.constant 1 : i32
      %sub3A_224 = arith.subi %add3A_222, %sub3A_223 : i32
      %lt3A = arith.constant 50 : i32
      %lt3A_225 = arith.cmpi slt, %sub3A_224, %lt3A : i32
      %convert_element_type3A_226 = arith.extui %lt3A_225 : i1 to i32
      %cond3A_227 = arith.constant 0 : i32
      %cond3A_228 = arith.cmpi ne, %convert_element_type3A_226, %cond3A_227 : i32
      scf.if %cond3A_228 {
        %add3A_509 = arith.constant 7 : i32
        %add3A_510 = arith.addi %add3A_178, %add3A_509 : i32
        %sub3A_511 = arith.constant 1 : i32
        %sub3A_512 = arith.subi %add3A_510, %sub3A_511 : i32
        %dma_start3A_513 = arith.constant 0 : i32
        %dma_start3A_514 = arith.constant 0 : i32
        %dma_start3A_515 = arith.constant 0 : i32
        %dma_start3A_516 = tpu.memref_slice %arg6[%dma_start3A_513, %dma_start3A_514, %dma_start3A_515] : memref<7x128x128xf32, #tpu.memory_space<vmem>> -> memref<1x128x128xf32, #tpu.memory_space<vmem>>
        %dma_start3A_517 = tpu.memref_squeeze %dma_start3A_516 : memref<1x128x128xf32, #tpu.memory_space<vmem>> -> memref<128x128xf32, #tpu.memory_space<vmem>>
        %dma_start3A_518 = arith.constant 0 : i32
        %dma_start3A_519 = tpu.memref_slice %arg5[%sub3A_512, %dma_start3A_518] : memref<50x128xi32, #tpu.memory_space<vmem>> -> memref<1x128xi32, #tpu.memory_space<vmem>>
        %dma_start3A_520 = tpu.memref_squeeze %dma_start3A_519 : memref<1x128xi32, #tpu.memory_space<vmem>> -> memref<128xi32, #tpu.memory_space<vmem>>
        %dma_start3A_521 = arith.constant 0 : i32
        %dma_start3A_522 = arith.constant 0 : i32
        %dma_start3A_523 = tpu.memref_slice %arg3[%dma_start3A_521, %dma_start3A_522] : memref<100000x128xf32, #tpu.memory_space<hbm>> -> memref<100000x128xf32, #tpu.memory_space<hbm>>
        tpu.enqueue_indirect_dma source(%dma_start3A_523 : memref<100000x128xf32, #tpu.memory_space<hbm>>) target(%dma_start3A_517 : memref<128x128xf32, #tpu.memory_space<vmem>>) offsets(%dma_start3A_520 : memref<128xi32, #tpu.memory_space<vmem>>) semaphore(%arg7 : memref<!tpu.dma_semaphore, #tpu.memory_space<semaphore_mem>>)
      } else {
      }
      %mul3A_229 = arith.constant 7 : i32
      %mul3A_230 = arith.muli %mul3A_229, %scan3A_138 : i32
      %add3A_231 = arith.constant 2 : i32
      %add3A_232 = arith.addi %mul3A_230, %add3A_231 : i32
      %dma_wait3A_233 = arith.constant 2 : i32
      %dma_wait3A_234 = arith.constant 0 : i32
      %dma_wait3A_235 = arith.constant 0 : i32
      %dma_wait3A_236 = tpu.memref_slice %arg6[%dma_wait3A_233, %dma_wait3A_234, %dma_wait3A_235] : memref<7x128x128xf32, #tpu.memory_space<vmem>> -> memref<1x128x128xf32, #tpu.memory_space<vmem>>
      %dma_wait3A_237 = tpu.memref_squeeze %dma_wait3A_236 : memref<1x128x128xf32, #tpu.memory_space<vmem>> -> memref<128x128xf32, #tpu.memory_space<vmem>>
      %dma_wait3A_238 = arith.constant 0 : i32
      %dma_wait3A_239 = tpu.memref_slice %arg5[%add3A_232, %dma_wait3A_238] : memref<50x128xi32, #tpu.memory_space<vmem>> -> memref<1x128xi32, #tpu.memory_space<vmem>>
      %dma_wait3A_240 = tpu.memref_squeeze %dma_wait3A_239 : memref<1x128xi32, #tpu.memory_space<vmem>> -> memref<128xi32, #tpu.memory_space<vmem>>
      %dma_wait3A_241 = arith.constant 0 : i32
      %dma_wait3A_242 = arith.constant 0 : i32
      %dma_wait3A_243 = tpu.memref_slice %arg3[%dma_wait3A_241, %dma_wait3A_242] : memref<100000x128xf32, #tpu.memory_space<hbm>> -> memref<100000x128xf32, #tpu.memory_space<hbm>>
      tpu.wait_indirect_dma semaphore(%arg9 : memref<!tpu.dma_semaphore, #tpu.memory_space<semaphore_mem>>) src(%dma_wait3A_243 : memref<100000x128xf32, #tpu.memory_space<hbm>>) dst(%dma_wait3A_237 : memref<128x128xf32, #tpu.memory_space<vmem>>)
      %dma_start3A_244 = arith.constant 2 : i32
      %dma_start3A_245 = arith.constant 0 : i32
      %dma_start3A_246 = arith.constant 0 : i32
      %dma_start3A_247 = tpu.memref_slice %arg6[%dma_start3A_244, %dma_start3A_245, %dma_start3A_246] : memref<7x128x128xf32, #tpu.memory_space<vmem>> -> memref<1x128x128xf32, #tpu.memory_space<vmem>>
      %dma_start3A_248 = tpu.memref_squeeze %dma_start3A_247 : memref<1x128x128xf32, #tpu.memory_space<vmem>> -> memref<128x128xf32, #tpu.memory_space<vmem>>
      %dma_start3A_249 = arith.constant 0 : i32
      %dma_start3A_250 = tpu.memref_slice %arg4[%add3A_232, %mul3A_2, %dma_start3A_249] : memref<50x4096x128xf32, #tpu.memory_space<hbm>> -> memref<1x128x128xf32, #tpu.memory_space<hbm>>
      %dma_start3A_251 = tpu.memref_squeeze %dma_start3A_250 : memref<1x128x128xf32, #tpu.memory_space<hbm>> -> memref<128x128xf32, #tpu.memory_space<hbm>>
      %dma_start3A_252 = arith.constant 0 : i32
      %dma_start3A_253 = tpu.memref_slice %arg4[%add3A_232, %mul3A_2, %dma_start3A_252] : memref<50x4096x128xf32, #tpu.memory_space<hbm>> -> memref<1x128x128xf32, #tpu.memory_space<hbm>>
      %dma_start3A_254 = tpu.memref_squeeze %dma_start3A_253 : memref<1x128x128xf32, #tpu.memory_space<hbm>> -> memref<128x128xf32, #tpu.memory_space<hbm>>
      %dma_start3A_255 = arith.constant 0 : i32
      %dma_start3A_256 = arith.constant 0 : i32
      %dma_start3A_257 = tpu.memref_slice %arg6[%dma_start3A_244, %dma_start3A_255, %dma_start3A_256] : memref<7x128x128xf32, #tpu.memory_space<vmem>> -> memref<1x128x128xf32, #tpu.memory_space<vmem>>
      %dma_start3A_258 = tpu.memref_squeeze %dma_start3A_257 : memref<1x128x128xf32, #tpu.memory_space<vmem>> -> memref<128x128xf32, #tpu.memory_space<vmem>>
      tpu.enqueue_dma source(%dma_start3A_258 : memref<128x128xf32, #tpu.memory_space<vmem>>) target(%dma_start3A_254 : memref<128x128xf32, #tpu.memory_space<hbm>>) target_semaphore(%arg16 : memref<!tpu.dma_semaphore, #tpu.memory_space<semaphore_mem>>)
      %sub3A_259 = arith.constant 1 : i32
      %sub3A_260 = arith.subi %add3A_232, %sub3A_259 : i32
      %dma_wait3A_261 = arith.constant 1 : i32
      %dma_wait3A_262 = arith.constant 0 : i32
      %dma_wait3A_263 = arith.constant 0 : i32
      %dma_wait3A_264 = tpu.memref_slice %arg6[%dma_wait3A_261, %dma_wait3A_262, %dma_wait3A_263] : memref<7x128x128xf32, #tpu.memory_space<vmem>> -> memref<1x128x128xf32, #tpu.memory_space<vmem>>
      %dma_wait3A_265 = tpu.memref_squeeze %dma_wait3A_264 : memref<1x128x128xf32, #tpu.memory_space<vmem>> -> memref<128x128xf32, #tpu.memory_space<vmem>>
      %dma_wait3A_266 = arith.constant 0 : i32
      %dma_wait3A_267 = tpu.memref_slice %arg4[%sub3A_260, %mul3A_2, %dma_wait3A_266] : memref<50x4096x128xf32, #tpu.memory_space<hbm>> -> memref<1x128x128xf32, #tpu.memory_space<hbm>>
      %dma_wait3A_268 = tpu.memref_squeeze %dma_wait3A_267 : memref<1x128x128xf32, #tpu.memory_space<hbm>> -> memref<128x128xf32, #tpu.memory_space<hbm>>
      %dma_wait3A_269 = arith.constant 0 : i32
      %dma_wait3A_270 = tpu.memref_slice %arg4[%sub3A_260, %mul3A_2, %dma_wait3A_269] : memref<50x4096x128xf32, #tpu.memory_space<hbm>> -> memref<1x128x128xf32, #tpu.memory_space<hbm>>
      %dma_wait3A_271 = tpu.memref_squeeze %dma_wait3A_270 : memref<1x128x128xf32, #tpu.memory_space<hbm>> -> memref<128x128xf32, #tpu.memory_space<hbm>>
      %dma_wait3A_272 = arith.constant 0 : i32
      %dma_wait3A_273 = arith.constant 0 : i32
      %dma_wait3A_274 = tpu.memref_slice %arg6[%dma_wait3A_261, %dma_wait3A_272, %dma_wait3A_273] : memref<7x128x128xf32, #tpu.memory_space<vmem>> -> memref<1x128x128xf32, #tpu.memory_space<vmem>>
      %dma_wait3A_275 = tpu.memref_squeeze %dma_wait3A_274 : memref<1x128x128xf32, #tpu.memory_space<vmem>> -> memref<128x128xf32, #tpu.memory_space<vmem>>
      tpu.wait_dma2 semaphore(%arg15 : memref<!tpu.dma_semaphore, #tpu.memory_space<semaphore_mem>>) src(%dma_wait3A_275 : memref<128x128xf32, #tpu.memory_space<vmem>>) dst(%dma_wait3A_271 : memref<128x128xf32, #tpu.memory_space<hbm>>)
      %add3A_276 = arith.constant 7 : i32
      %add3A_277 = arith.addi %add3A_232, %add3A_276 : i32
      %sub3A_278 = arith.constant 1 : i32
      %sub3A_279 = arith.subi %add3A_277, %sub3A_278 : i32
      %lt3A_280 = arith.constant 50 : i32
      %lt3A_281 = arith.cmpi slt, %sub3A_279, %lt3A_280 : i32
      %convert_element_type3A_282 = arith.extui %lt3A_281 : i1 to i32
      %cond3A_283 = arith.constant 0 : i32
      %cond3A_284 = arith.cmpi ne, %convert_element_type3A_282, %cond3A_283 : i32
      scf.if %cond3A_284 {
        %add3A_509 = arith.constant 7 : i32
        %add3A_510 = arith.addi %add3A_232, %add3A_509 : i32
        %sub3A_511 = arith.constant 1 : i32
        %sub3A_512 = arith.subi %add3A_510, %sub3A_511 : i32
        %dma_start3A_513 = arith.constant 1 : i32
        %dma_start3A_514 = arith.constant 0 : i32
        %dma_start3A_515 = arith.constant 0 : i32
        %dma_start3A_516 = tpu.memref_slice %arg6[%dma_start3A_513, %dma_start3A_514, %dma_start3A_515] : memref<7x128x128xf32, #tpu.memory_space<vmem>> -> memref<1x128x128xf32, #tpu.memory_space<vmem>>
        %dma_start3A_517 = tpu.memref_squeeze %dma_start3A_516 : memref<1x128x128xf32, #tpu.memory_space<vmem>> -> memref<128x128xf32, #tpu.memory_space<vmem>>
        %dma_start3A_518 = arith.constant 0 : i32
        %dma_start3A_519 = tpu.memref_slice %arg5[%sub3A_512, %dma_start3A_518] : memref<50x128xi32, #tpu.memory_space<vmem>> -> memref<1x128xi32, #tpu.memory_space<vmem>>
        %dma_start3A_520 = tpu.memref_squeeze %dma_start3A_519 : memref<1x128xi32, #tpu.memory_space<vmem>> -> memref<128xi32, #tpu.memory_space<vmem>>
        %dma_start3A_521 = arith.constant 0 : i32
        %dma_start3A_522 = arith.constant 0 : i32
        %dma_start3A_523 = tpu.memref_slice %arg3[%dma_start3A_521, %dma_start3A_522] : memref<100000x128xf32, #tpu.memory_space<hbm>> -> memref<100000x128xf32, #tpu.memory_space<hbm>>
        tpu.enqueue_indirect_dma source(%dma_start3A_523 : memref<100000x128xf32, #tpu.memory_space<hbm>>) target(%dma_start3A_517 : memref<128x128xf32, #tpu.memory_space<vmem>>) offsets(%dma_start3A_520 : memref<128xi32, #tpu.memory_space<vmem>>) semaphore(%arg8 : memref<!tpu.dma_semaphore, #tpu.memory_space<semaphore_mem>>)
      } else {
      }
      %mul3A_285 = arith.constant 7 : i32
      %mul3A_286 = arith.muli %mul3A_285, %scan3A_138 : i32
      %add3A_287 = arith.constant 3 : i32
      %add3A_288 = arith.addi %mul3A_286, %add3A_287 : i32
      %dma_wait3A_289 = arith.constant 3 : i32
      %dma_wait3A_290 = arith.constant 0 : i32
      %dma_wait3A_291 = arith.constant 0 : i32
      %dma_wait3A_292 = tpu.memref_slice %arg6[%dma_wait3A_289, %dma_wait3A_290, %dma_wait3A_291] : memref<7x128x128xf32, #tpu.memory_space<vmem>> -> memref<1x128x128xf32, #tpu.memory_space<vmem>>
      %dma_wait3A_293 = tpu.memref_squeeze %dma_wait3A_292 : memref<1x128x128xf32, #tpu.memory_space<vmem>> -> memref<128x128xf32, #tpu.memory_space<vmem>>
      %dma_wait3A_294 = arith.constant 0 : i32
      %dma_wait3A_295 = tpu.memref_slice %arg5[%add3A_288, %dma_wait3A_294] : memref<50x128xi32, #tpu.memory_space<vmem>> -> memref<1x128xi32, #tpu.memory_space<vmem>>
      %dma_wait3A_296 = tpu.memref_squeeze %dma_wait3A_295 : memref<1x128xi32, #tpu.memory_space<vmem>> -> memref<128xi32, #tpu.memory_space<vmem>>
      %dma_wait3A_297 = arith.constant 0 : i32
      %dma_wait3A_298 = arith.constant 0 : i32
      %dma_wait3A_299 = tpu.memref_slice %arg3[%dma_wait3A_297, %dma_wait3A_298] : memref<100000x128xf32, #tpu.memory_space<hbm>> -> memref<100000x128xf32, #tpu.memory_space<hbm>>
      tpu.wait_indirect_dma semaphore(%arg10 : memref<!tpu.dma_semaphore, #tpu.memory_space<semaphore_mem>>) src(%dma_wait3A_299 : memref<100000x128xf32, #tpu.memory_space<hbm>>) dst(%dma_wait3A_293 : memref<128x128xf32, #tpu.memory_space<vmem>>)
      %dma_start3A_300 = arith.constant 3 : i32
      %dma_start3A_301 = arith.constant 0 : i32
      %dma_start3A_302 = arith.constant 0 : i32
      %dma_start3A_303 = tpu.memref_slice %arg6[%dma_start3A_300, %dma_start3A_301, %dma_start3A_302] : memref<7x128x128xf32, #tpu.memory_space<vmem>> -> memref<1x128x128xf32, #tpu.memory_space<vmem>>
      %dma_start3A_304 = tpu.memref_squeeze %dma_start3A_303 : memref<1x128x128xf32, #tpu.memory_space<vmem>> -> memref<128x128xf32, #tpu.memory_space<vmem>>
      %dma_start3A_305 = arith.constant 0 : i32
      %dma_start3A_306 = tpu.memref_slice %arg4[%add3A_288, %mul3A_2, %dma_start3A_305] : memref<50x4096x128xf32, #tpu.memory_space<hbm>> -> memref<1x128x128xf32, #tpu.memory_space<hbm>>
      %dma_start3A_307 = tpu.memref_squeeze %dma_start3A_306 : memref<1x128x128xf32, #tpu.memory_space<hbm>> -> memref<128x128xf32, #tpu.memory_space<hbm>>
      %dma_start3A_308 = arith.constant 0 : i32
      %dma_start3A_309 = tpu.memref_slice %arg4[%add3A_288, %mul3A_2, %dma_start3A_308] : memref<50x4096x128xf32, #tpu.memory_space<hbm>> -> memref<1x128x128xf32, #tpu.memory_space<hbm>>
      %dma_start3A_310 = tpu.memref_squeeze %dma_start3A_309 : memref<1x128x128xf32, #tpu.memory_space<hbm>> -> memref<128x128xf32, #tpu.memory_space<hbm>>
      %dma_start3A_311 = arith.constant 0 : i32
      %dma_start3A_312 = arith.constant 0 : i32
      %dma_start3A_313 = tpu.memref_slice %arg6[%dma_start3A_300, %dma_start3A_311, %dma_start3A_312] : memref<7x128x128xf32, #tpu.memory_space<vmem>> -> memref<1x128x128xf32, #tpu.memory_space<vmem>>
      %dma_start3A_314 = tpu.memref_squeeze %dma_start3A_313 : memref<1x128x128xf32, #tpu.memory_space<vmem>> -> memref<128x128xf32, #tpu.memory_space<vmem>>
      tpu.enqueue_dma source(%dma_start3A_314 : memref<128x128xf32, #tpu.memory_space<vmem>>) target(%dma_start3A_310 : memref<128x128xf32, #tpu.memory_space<hbm>>) target_semaphore(%arg17 : memref<!tpu.dma_semaphore, #tpu.memory_space<semaphore_mem>>)
      %sub3A_315 = arith.constant 1 : i32
      %sub3A_316 = arith.subi %add3A_288, %sub3A_315 : i32
      %dma_wait3A_317 = arith.constant 2 : i32
      %dma_wait3A_318 = arith.constant 0 : i32
      %dma_wait3A_319 = arith.constant 0 : i32
      %dma_wait3A_320 = tpu.memref_slice %arg6[%dma_wait3A_317, %dma_wait3A_318, %dma_wait3A_319] : memref<7x128x128xf32, #tpu.memory_space<vmem>> -> memref<1x128x128xf32, #tpu.memory_space<vmem>>
      %dma_wait3A_321 = tpu.memref_squeeze %dma_wait3A_320 : memref<1x128x128xf32, #tpu.memory_space<vmem>> -> memref<128x128xf32, #tpu.memory_space<vmem>>
      %dma_wait3A_322 = arith.constant 0 : i32
      %dma_wait3A_323 = tpu.memref_slice %arg4[%sub3A_316, %mul3A_2, %dma_wait3A_322] : memref<50x4096x128xf32, #tpu.memory_space<hbm>> -> memref<1x128x128xf32, #tpu.memory_space<hbm>>
      %dma_wait3A_324 = tpu.memref_squeeze %dma_wait3A_323 : memref<1x128x128xf32, #tpu.memory_space<hbm>> -> memref<128x128xf32, #tpu.memory_space<hbm>>
      %dma_wait3A_325 = arith.constant 0 : i32
      %dma_wait3A_326 = tpu.memref_slice %arg4[%sub3A_316, %mul3A_2, %dma_wait3A_325] : memref<50x4096x128xf32, #tpu.memory_space<hbm>> -> memref<1x128x128xf32, #tpu.memory_space<hbm>>
      %dma_wait3A_327 = tpu.memref_squeeze %dma_wait3A_326 : memref<1x128x128xf32, #tpu.memory_space<hbm>> -> memref<128x128xf32, #tpu.memory_space<hbm>>
      %dma_wait3A_328 = arith.constant 0 : i32
      %dma_wait3A_329 = arith.constant 0 : i32
      %dma_wait3A_330 = tpu.memref_slice %arg6[%dma_wait3A_317, %dma_wait3A_328, %dma_wait3A_329] : memref<7x128x128xf32, #tpu.memory_space<vmem>> -> memref<1x128x128xf32, #tpu.memory_space<vmem>>
      %dma_wait3A_331 = tpu.memref_squeeze %dma_wait3A_330 : memref<1x128x128xf32, #tpu.memory_space<vmem>> -> memref<128x128xf32, #tpu.memory_space<vmem>>
      tpu.wait_dma2 semaphore(%arg16 : memref<!tpu.dma_semaphore, #tpu.memory_space<semaphore_mem>>) src(%dma_wait3A_331 : memref<128x128xf32, #tpu.memory_space<vmem>>) dst(%dma_wait3A_327 : memref<128x128xf32, #tpu.memory_space<hbm>>)
      %add3A_332 = arith.constant 7 : i32
      %add3A_333 = arith.addi %add3A_288, %add3A_332 : i32
      %sub3A_334 = arith.constant 1 : i32
      %sub3A_335 = arith.subi %add3A_333, %sub3A_334 : i32
      %lt3A_336 = arith.constant 50 : i32
      %lt3A_337 = arith.cmpi slt, %sub3A_335, %lt3A_336 : i32
      %convert_element_type3A_338 = arith.extui %lt3A_337 : i1 to i32
      %cond3A_339 = arith.constant 0 : i32
      %cond3A_340 = arith.cmpi ne, %convert_element_type3A_338, %cond3A_339 : i32
      scf.if %cond3A_340 {
        %add3A_509 = arith.constant 7 : i32
        %add3A_510 = arith.addi %add3A_288, %add3A_509 : i32
        %sub3A_511 = arith.constant 1 : i32
        %sub3A_512 = arith.subi %add3A_510, %sub3A_511 : i32
        %dma_start3A_513 = arith.constant 2 : i32
        %dma_start3A_514 = arith.constant 0 : i32
        %dma_start3A_515 = arith.constant 0 : i32
        %dma_start3A_516 = tpu.memref_slice %arg6[%dma_start3A_513, %dma_start3A_514, %dma_start3A_515] : memref<7x128x128xf32, #tpu.memory_space<vmem>> -> memref<1x128x128xf32, #tpu.memory_space<vmem>>
        %dma_start3A_517 = tpu.memref_squeeze %dma_start3A_516 : memref<1x128x128xf32, #tpu.memory_space<vmem>> -> memref<128x128xf32, #tpu.memory_space<vmem>>
        %dma_start3A_518 = arith.constant 0 : i32
        %dma_start3A_519 = tpu.memref_slice %arg5[%sub3A_512, %dma_start3A_518] : memref<50x128xi32, #tpu.memory_space<vmem>> -> memref<1x128xi32, #tpu.memory_space<vmem>>
        %dma_start3A_520 = tpu.memref_squeeze %dma_start3A_519 : memref<1x128xi32, #tpu.memory_space<vmem>> -> memref<128xi32, #tpu.memory_space<vmem>>
        %dma_start3A_521 = arith.constant 0 : i32
        %dma_start3A_522 = arith.constant 0 : i32
        %dma_start3A_523 = tpu.memref_slice %arg3[%dma_start3A_521, %dma_start3A_522] : memref<100000x128xf32, #tpu.memory_space<hbm>> -> memref<100000x128xf32, #tpu.memory_space<hbm>>
        tpu.enqueue_indirect_dma source(%dma_start3A_523 : memref<100000x128xf32, #tpu.memory_space<hbm>>) target(%dma_start3A_517 : memref<128x128xf32, #tpu.memory_space<vmem>>) offsets(%dma_start3A_520 : memref<128xi32, #tpu.memory_space<vmem>>) semaphore(%arg9 : memref<!tpu.dma_semaphore, #tpu.memory_space<semaphore_mem>>)
      } else {
      }
      %mul3A_341 = arith.constant 7 : i32
      %mul3A_342 = arith.muli %mul3A_341, %scan3A_138 : i32
      %add3A_343 = arith.constant 4 : i32
      %add3A_344 = arith.addi %mul3A_342, %add3A_343 : i32
      %dma_wait3A_345 = arith.constant 4 : i32
      %dma_wait3A_346 = arith.constant 0 : i32
      %dma_wait3A_347 = arith.constant 0 : i32
      %dma_wait3A_348 = tpu.memref_slice %arg6[%dma_wait3A_345, %dma_wait3A_346, %dma_wait3A_347] : memref<7x128x128xf32, #tpu.memory_space<vmem>> -> memref<1x128x128xf32, #tpu.memory_space<vmem>>
      %dma_wait3A_349 = tpu.memref_squeeze %dma_wait3A_348 : memref<1x128x128xf32, #tpu.memory_space<vmem>> -> memref<128x128xf32, #tpu.memory_space<vmem>>
      %dma_wait3A_350 = arith.constant 0 : i32
      %dma_wait3A_351 = tpu.memref_slice %arg5[%add3A_344, %dma_wait3A_350] : memref<50x128xi32, #tpu.memory_space<vmem>> -> memref<1x128xi32, #tpu.memory_space<vmem>>
      %dma_wait3A_352 = tpu.memref_squeeze %dma_wait3A_351 : memref<1x128xi32, #tpu.memory_space<vmem>> -> memref<128xi32, #tpu.memory_space<vmem>>
      %dma_wait3A_353 = arith.constant 0 : i32
      %dma_wait3A_354 = arith.constant 0 : i32
      %dma_wait3A_355 = tpu.memref_slice %arg3[%dma_wait3A_353, %dma_wait3A_354] : memref<100000x128xf32, #tpu.memory_space<hbm>> -> memref<100000x128xf32, #tpu.memory_space<hbm>>
      tpu.wait_indirect_dma semaphore(%arg11 : memref<!tpu.dma_semaphore, #tpu.memory_space<semaphore_mem>>) src(%dma_wait3A_355 : memref<100000x128xf32, #tpu.memory_space<hbm>>) dst(%dma_wait3A_349 : memref<128x128xf32, #tpu.memory_space<vmem>>)
      %dma_start3A_356 = arith.constant 4 : i32
      %dma_start3A_357 = arith.constant 0 : i32
      %dma_start3A_358 = arith.constant 0 : i32
      %dma_start3A_359 = tpu.memref_slice %arg6[%dma_start3A_356, %dma_start3A_357, %dma_start3A_358] : memref<7x128x128xf32, #tpu.memory_space<vmem>> -> memref<1x128x128xf32, #tpu.memory_space<vmem>>
      %dma_start3A_360 = tpu.memref_squeeze %dma_start3A_359 : memref<1x128x128xf32, #tpu.memory_space<vmem>> -> memref<128x128xf32, #tpu.memory_space<vmem>>
      %dma_start3A_361 = arith.constant 0 : i32
      %dma_start3A_362 = tpu.memref_slice %arg4[%add3A_344, %mul3A_2, %dma_start3A_361] : memref<50x4096x128xf32, #tpu.memory_space<hbm>> -> memref<1x128x128xf32, #tpu.memory_space<hbm>>
      %dma_start3A_363 = tpu.memref_squeeze %dma_start3A_362 : memref<1x128x128xf32, #tpu.memory_space<hbm>> -> memref<128x128xf32, #tpu.memory_space<hbm>>
      %dma_start3A_364 = arith.constant 0 : i32
      %dma_start3A_365 = tpu.memref_slice %arg4[%add3A_344, %mul3A_2, %dma_start3A_364] : memref<50x4096x128xf32, #tpu.memory_space<hbm>> -> memref<1x128x128xf32, #tpu.memory_space<hbm>>
      %dma_start3A_366 = tpu.memref_squeeze %dma_start3A_365 : memref<1x128x128xf32, #tpu.memory_space<hbm>> -> memref<128x128xf32, #tpu.memory_space<hbm>>
      %dma_start3A_367 = arith.constant 0 : i32
      %dma_start3A_368 = arith.constant 0 : i32
      %dma_start3A_369 = tpu.memref_slice %arg6[%dma_start3A_356, %dma_start3A_367, %dma_start3A_368] : memref<7x128x128xf32, #tpu.memory_space<vmem>> -> memref<1x128x128xf32, #tpu.memory_space<vmem>>
      %dma_start3A_370 = tpu.memref_squeeze %dma_start3A_369 : memref<1x128x128xf32, #tpu.memory_space<vmem>> -> memref<128x128xf32, #tpu.memory_space<vmem>>
      tpu.enqueue_dma source(%dma_start3A_370 : memref<128x128xf32, #tpu.memory_space<vmem>>) target(%dma_start3A_366 : memref<128x128xf32, #tpu.memory_space<hbm>>) target_semaphore(%arg18 : memref<!tpu.dma_semaphore, #tpu.memory_space<semaphore_mem>>)
      %sub3A_371 = arith.constant 1 : i32
      %sub3A_372 = arith.subi %add3A_344, %sub3A_371 : i32
      %dma_wait3A_373 = arith.constant 3 : i32
      %dma_wait3A_374 = arith.constant 0 : i32
      %dma_wait3A_375 = arith.constant 0 : i32
      %dma_wait3A_376 = tpu.memref_slice %arg6[%dma_wait3A_373, %dma_wait3A_374, %dma_wait3A_375] : memref<7x128x128xf32, #tpu.memory_space<vmem>> -> memref<1x128x128xf32, #tpu.memory_space<vmem>>
      %dma_wait3A_377 = tpu.memref_squeeze %dma_wait3A_376 : memref<1x128x128xf32, #tpu.memory_space<vmem>> -> memref<128x128xf32, #tpu.memory_space<vmem>>
      %dma_wait3A_378 = arith.constant 0 : i32
      %dma_wait3A_379 = tpu.memref_slice %arg4[%sub3A_372, %mul3A_2, %dma_wait3A_378] : memref<50x4096x128xf32, #tpu.memory_space<hbm>> -> memref<1x128x128xf32, #tpu.memory_space<hbm>>
      %dma_wait3A_380 = tpu.memref_squeeze %dma_wait3A_379 : memref<1x128x128xf32, #tpu.memory_space<hbm>> -> memref<128x128xf32, #tpu.memory_space<hbm>>
      %dma_wait3A_381 = arith.constant 0 : i32
      %dma_wait3A_382 = tpu.memref_slice %arg4[%sub3A_372, %mul3A_2, %dma_wait3A_381] : memref<50x4096x128xf32, #tpu.memory_space<hbm>> -> memref<1x128x128xf32, #tpu.memory_space<hbm>>
      %dma_wait3A_383 = tpu.memref_squeeze %dma_wait3A_382 : memref<1x128x128xf32, #tpu.memory_space<hbm>> -> memref<128x128xf32, #tpu.memory_space<hbm>>
      %dma_wait3A_384 = arith.constant 0 : i32
      %dma_wait3A_385 = arith.constant 0 : i32
      %dma_wait3A_386 = tpu.memref_slice %arg6[%dma_wait3A_373, %dma_wait3A_384, %dma_wait3A_385] : memref<7x128x128xf32, #tpu.memory_space<vmem>> -> memref<1x128x128xf32, #tpu.memory_space<vmem>>
      %dma_wait3A_387 = tpu.memref_squeeze %dma_wait3A_386 : memref<1x128x128xf32, #tpu.memory_space<vmem>> -> memref<128x128xf32, #tpu.memory_space<vmem>>
      tpu.wait_dma2 semaphore(%arg17 : memref<!tpu.dma_semaphore, #tpu.memory_space<semaphore_mem>>) src(%dma_wait3A_387 : memref<128x128xf32, #tpu.memory_space<vmem>>) dst(%dma_wait3A_383 : memref<128x128xf32, #tpu.memory_space<hbm>>)
      %add3A_388 = arith.constant 7 : i32
      %add3A_389 = arith.addi %add3A_344, %add3A_388 : i32
      %sub3A_390 = arith.constant 1 : i32
      %sub3A_391 = arith.subi %add3A_389, %sub3A_390 : i32
      %lt3A_392 = arith.constant 50 : i32
      %lt3A_393 = arith.cmpi slt, %sub3A_391, %lt3A_392 : i32
      %convert_element_type3A_394 = arith.extui %lt3A_393 : i1 to i32
      %cond3A_395 = arith.constant 0 : i32
      %cond3A_396 = arith.cmpi ne, %convert_element_type3A_394, %cond3A_395 : i32
      scf.if %cond3A_396 {
        %add3A_509 = arith.constant 7 : i32
        %add3A_510 = arith.addi %add3A_344, %add3A_509 : i32
        %sub3A_511 = arith.constant 1 : i32
        %sub3A_512 = arith.subi %add3A_510, %sub3A_511 : i32
        %dma_start3A_513 = arith.constant 3 : i32
        %dma_start3A_514 = arith.constant 0 : i32
        %dma_start3A_515 = arith.constant 0 : i32
        %dma_start3A_516 = tpu.memref_slice %arg6[%dma_start3A_513, %dma_start3A_514, %dma_start3A_515] : memref<7x128x128xf32, #tpu.memory_space<vmem>> -> memref<1x128x128xf32, #tpu.memory_space<vmem>>
        %dma_start3A_517 = tpu.memref_squeeze %dma_start3A_516 : memref<1x128x128xf32, #tpu.memory_space<vmem>> -> memref<128x128xf32, #tpu.memory_space<vmem>>
        %dma_start3A_518 = arith.constant 0 : i32
        %dma_start3A_519 = tpu.memref_slice %arg5[%sub3A_512, %dma_start3A_518] : memref<50x128xi32, #tpu.memory_space<vmem>> -> memref<1x128xi32, #tpu.memory_space<vmem>>
        %dma_start3A_520 = tpu.memref_squeeze %dma_start3A_519 : memref<1x128xi32, #tpu.memory_space<vmem>> -> memref<128xi32, #tpu.memory_space<vmem>>
        %dma_start3A_521 = arith.constant 0 : i32
        %dma_start3A_522 = arith.constant 0 : i32
        %dma_start3A_523 = tpu.memref_slice %arg3[%dma_start3A_521, %dma_start3A_522] : memref<100000x128xf32, #tpu.memory_space<hbm>> -> memref<100000x128xf32, #tpu.memory_space<hbm>>
        tpu.enqueue_indirect_dma source(%dma_start3A_523 : memref<100000x128xf32, #tpu.memory_space<hbm>>) target(%dma_start3A_517 : memref<128x128xf32, #tpu.memory_space<vmem>>) offsets(%dma_start3A_520 : memref<128xi32, #tpu.memory_space<vmem>>) semaphore(%arg10 : memref<!tpu.dma_semaphore, #tpu.memory_space<semaphore_mem>>)
      } else {
      }
      %mul3A_397 = arith.constant 7 : i32
      %mul3A_398 = arith.muli %mul3A_397, %scan3A_138 : i32
      %add3A_399 = arith.constant 5 : i32
      %add3A_400 = arith.addi %mul3A_398, %add3A_399 : i32
      %dma_wait3A_401 = arith.constant 5 : i32
      %dma_wait3A_402 = arith.constant 0 : i32
      %dma_wait3A_403 = arith.constant 0 : i32
      %dma_wait3A_404 = tpu.memref_slice %arg6[%dma_wait3A_401, %dma_wait3A_402, %dma_wait3A_403] : memref<7x128x128xf32, #tpu.memory_space<vmem>> -> memref<1x128x128xf32, #tpu.memory_space<vmem>>
      %dma_wait3A_405 = tpu.memref_squeeze %dma_wait3A_404 : memref<1x128x128xf32, #tpu.memory_space<vmem>> -> memref<128x128xf32, #tpu.memory_space<vmem>>
      %dma_wait3A_406 = arith.constant 0 : i32
      %dma_wait3A_407 = tpu.memref_slice %arg5[%add3A_400, %dma_wait3A_406] : memref<50x128xi32, #tpu.memory_space<vmem>> -> memref<1x128xi32, #tpu.memory_space<vmem>>
      %dma_wait3A_408 = tpu.memref_squeeze %dma_wait3A_407 : memref<1x128xi32, #tpu.memory_space<vmem>> -> memref<128xi32, #tpu.memory_space<vmem>>
      %dma_wait3A_409 = arith.constant 0 : i32
      %dma_wait3A_410 = arith.constant 0 : i32
      %dma_wait3A_411 = tpu.memref_slice %arg3[%dma_wait3A_409, %dma_wait3A_410] : memref<100000x128xf32, #tpu.memory_space<hbm>> -> memref<100000x128xf32, #tpu.memory_space<hbm>>
      tpu.wait_indirect_dma semaphore(%arg12 : memref<!tpu.dma_semaphore, #tpu.memory_space<semaphore_mem>>) src(%dma_wait3A_411 : memref<100000x128xf32, #tpu.memory_space<hbm>>) dst(%dma_wait3A_405 : memref<128x128xf32, #tpu.memory_space<vmem>>)
      %dma_start3A_412 = arith.constant 5 : i32
      %dma_start3A_413 = arith.constant 0 : i32
      %dma_start3A_414 = arith.constant 0 : i32
      %dma_start3A_415 = tpu.memref_slice %arg6[%dma_start3A_412, %dma_start3A_413, %dma_start3A_414] : memref<7x128x128xf32, #tpu.memory_space<vmem>> -> memref<1x128x128xf32, #tpu.memory_space<vmem>>
      %dma_start3A_416 = tpu.memref_squeeze %dma_start3A_415 : memref<1x128x128xf32, #tpu.memory_space<vmem>> -> memref<128x128xf32, #tpu.memory_space<vmem>>
      %dma_start3A_417 = arith.constant 0 : i32
      %dma_start3A_418 = tpu.memref_slice %arg4[%add3A_400, %mul3A_2, %dma_start3A_417] : memref<50x4096x128xf32, #tpu.memory_space<hbm>> -> memref<1x128x128xf32, #tpu.memory_space<hbm>>
      %dma_start3A_419 = tpu.memref_squeeze %dma_start3A_418 : memref<1x128x128xf32, #tpu.memory_space<hbm>> -> memref<128x128xf32, #tpu.memory_space<hbm>>
      %dma_start3A_420 = arith.constant 0 : i32
      %dma_start3A_421 = tpu.memref_slice %arg4[%add3A_400, %mul3A_2, %dma_start3A_420] : memref<50x4096x128xf32, #tpu.memory_space<hbm>> -> memref<1x128x128xf32, #tpu.memory_space<hbm>>
      %dma_start3A_422 = tpu.memref_squeeze %dma_start3A_421 : memref<1x128x128xf32, #tpu.memory_space<hbm>> -> memref<128x128xf32, #tpu.memory_space<hbm>>
      %dma_start3A_423 = arith.constant 0 : i32
      %dma_start3A_424 = arith.constant 0 : i32
      %dma_start3A_425 = tpu.memref_slice %arg6[%dma_start3A_412, %dma_start3A_423, %dma_start3A_424] : memref<7x128x128xf32, #tpu.memory_space<vmem>> -> memref<1x128x128xf32, #tpu.memory_space<vmem>>
      %dma_start3A_426 = tpu.memref_squeeze %dma_start3A_425 : memref<1x128x128xf32, #tpu.memory_space<vmem>> -> memref<128x128xf32, #tpu.memory_space<vmem>>
      tpu.enqueue_dma source(%dma_start3A_426 : memref<128x128xf32, #tpu.memory_space<vmem>>) target(%dma_start3A_422 : memref<128x128xf32, #tpu.memory_space<hbm>>) target_semaphore(%arg19 : memref<!tpu.dma_semaphore, #tpu.memory_space<semaphore_mem>>)
      %sub3A_427 = arith.constant 1 : i32
      %sub3A_428 = arith.subi %add3A_400, %sub3A_427 : i32
      %dma_wait3A_429 = arith.constant 4 : i32
      %dma_wait3A_430 = arith.constant 0 : i32
      %dma_wait3A_431 = arith.constant 0 : i32
      %dma_wait3A_432 = tpu.memref_slice %arg6[%dma_wait3A_429, %dma_wait3A_430, %dma_wait3A_431] : memref<7x128x128xf32, #tpu.memory_space<vmem>> -> memref<1x128x128xf32, #tpu.memory_space<vmem>>
      %dma_wait3A_433 = tpu.memref_squeeze %dma_wait3A_432 : memref<1x128x128xf32, #tpu.memory_space<vmem>> -> memref<128x128xf32, #tpu.memory_space<vmem>>
      %dma_wait3A_434 = arith.constant 0 : i32
      %dma_wait3A_435 = tpu.memref_slice %arg4[%sub3A_428, %mul3A_2, %dma_wait3A_434] : memref<50x4096x128xf32, #tpu.memory_space<hbm>> -> memref<1x128x128xf32, #tpu.memory_space<hbm>>
      %dma_wait3A_436 = tpu.memref_squeeze %dma_wait3A_435 : memref<1x128x128xf32, #tpu.memory_space<hbm>> -> memref<128x128xf32, #tpu.memory_space<hbm>>
      %dma_wait3A_437 = arith.constant 0 : i32
      %dma_wait3A_438 = tpu.memref_slice %arg4[%sub3A_428, %mul3A_2, %dma_wait3A_437] : memref<50x4096x128xf32, #tpu.memory_space<hbm>> -> memref<1x128x128xf32, #tpu.memory_space<hbm>>
      %dma_wait3A_439 = tpu.memref_squeeze %dma_wait3A_438 : memref<1x128x128xf32, #tpu.memory_space<hbm>> -> memref<128x128xf32, #tpu.memory_space<hbm>>
      %dma_wait3A_440 = arith.constant 0 : i32
      %dma_wait3A_441 = arith.constant 0 : i32
      %dma_wait3A_442 = tpu.memref_slice %arg6[%dma_wait3A_429, %dma_wait3A_440, %dma_wait3A_441] : memref<7x128x128xf32, #tpu.memory_space<vmem>> -> memref<1x128x128xf32, #tpu.memory_space<vmem>>
      %dma_wait3A_443 = tpu.memref_squeeze %dma_wait3A_442 : memref<1x128x128xf32, #tpu.memory_space<vmem>> -> memref<128x128xf32, #tpu.memory_space<vmem>>
      tpu.wait_dma2 semaphore(%arg18 : memref<!tpu.dma_semaphore, #tpu.memory_space<semaphore_mem>>) src(%dma_wait3A_443 : memref<128x128xf32, #tpu.memory_space<vmem>>) dst(%dma_wait3A_439 : memref<128x128xf32, #tpu.memory_space<hbm>>)
      %add3A_444 = arith.constant 7 : i32
      %add3A_445 = arith.addi %add3A_400, %add3A_444 : i32
      %sub3A_446 = arith.constant 1 : i32
      %sub3A_447 = arith.subi %add3A_445, %sub3A_446 : i32
      %lt3A_448 = arith.constant 50 : i32
      %lt3A_449 = arith.cmpi slt, %sub3A_447, %lt3A_448 : i32
      %convert_element_type3A_450 = arith.extui %lt3A_449 : i1 to i32
      %cond3A_451 = arith.constant 0 : i32
      %cond3A_452 = arith.cmpi ne, %convert_element_type3A_450, %cond3A_451 : i32
      scf.if %cond3A_452 {
        %add3A_509 = arith.constant 7 : i32
        %add3A_510 = arith.addi %add3A_400, %add3A_509 : i32
        %sub3A_511 = arith.constant 1 : i32
        %sub3A_512 = arith.subi %add3A_510, %sub3A_511 : i32
        %dma_start3A_513 = arith.constant 4 : i32
        %dma_start3A_514 = arith.constant 0 : i32
        %dma_start3A_515 = arith.constant 0 : i32
        %dma_start3A_516 = tpu.memref_slice %arg6[%dma_start3A_513, %dma_start3A_514, %dma_start3A_515] : memref<7x128x128xf32, #tpu.memory_space<vmem>> -> memref<1x128x128xf32, #tpu.memory_space<vmem>>
        %dma_start3A_517 = tpu.memref_squeeze %dma_start3A_516 : memref<1x128x128xf32, #tpu.memory_space<vmem>> -> memref<128x128xf32, #tpu.memory_space<vmem>>
        %dma_start3A_518 = arith.constant 0 : i32
        %dma_start3A_519 = tpu.memref_slice %arg5[%sub3A_512, %dma_start3A_518] : memref<50x128xi32, #tpu.memory_space<vmem>> -> memref<1x128xi32, #tpu.memory_space<vmem>>
        %dma_start3A_520 = tpu.memref_squeeze %dma_start3A_519 : memref<1x128xi32, #tpu.memory_space<vmem>> -> memref<128xi32, #tpu.memory_space<vmem>>
        %dma_start3A_521 = arith.constant 0 : i32
        %dma_start3A_522 = arith.constant 0 : i32
        %dma_start3A_523 = tpu.memref_slice %arg3[%dma_start3A_521, %dma_start3A_522] : memref<100000x128xf32, #tpu.memory_space<hbm>> -> memref<100000x128xf32, #tpu.memory_space<hbm>>
        tpu.enqueue_indirect_dma source(%dma_start3A_523 : memref<100000x128xf32, #tpu.memory_space<hbm>>) target(%dma_start3A_517 : memref<128x128xf32, #tpu.memory_space<vmem>>) offsets(%dma_start3A_520 : memref<128xi32, #tpu.memory_space<vmem>>) semaphore(%arg11 : memref<!tpu.dma_semaphore, #tpu.memory_space<semaphore_mem>>)
      } else {
      }
      %mul3A_453 = arith.constant 7 : i32
      %mul3A_454 = arith.muli %mul3A_453, %scan3A_138 : i32
      %add3A_455 = arith.constant 6 : i32
      %add3A_456 = arith.addi %mul3A_454, %add3A_455 : i32
      %dma_wait3A_457 = arith.constant 6 : i32
      %dma_wait3A_458 = arith.constant 0 : i32
      %dma_wait3A_459 = arith.constant 0 : i32
      %dma_wait3A_460 = tpu.memref_slice %arg6[%dma_wait3A_457, %dma_wait3A_458, %dma_wait3A_459] : memref<7x128x128xf32, #tpu.memory_space<vmem>> -> memref<1x128x128xf32, #tpu.memory_space<vmem>>
      %dma_wait3A_461 = tpu.memref_squeeze %dma_wait3A_460 : memref<1x128x128xf32, #tpu.memory_space<vmem>> -> memref<128x128xf32, #tpu.memory_space<vmem>>
      %dma_wait3A_462 = arith.constant 0 : i32
      %dma_wait3A_463 = tpu.memref_slice %arg5[%add3A_456, %dma_wait3A_462] : memref<50x128xi32, #tpu.memory_space<vmem>> -> memref<1x128xi32, #tpu.memory_space<vmem>>
      %dma_wait3A_464 = tpu.memref_squeeze %dma_wait3A_463 : memref<1x128xi32, #tpu.memory_space<vmem>> -> memref<128xi32, #tpu.memory_space<vmem>>
      %dma_wait3A_465 = arith.constant 0 : i32
      %dma_wait3A_466 = arith.constant 0 : i32
      %dma_wait3A_467 = tpu.memref_slice %arg3[%dma_wait3A_465, %dma_wait3A_466] : memref<100000x128xf32, #tpu.memory_space<hbm>> -> memref<100000x128xf32, #tpu.memory_space<hbm>>
      tpu.wait_indirect_dma semaphore(%arg13 : memref<!tpu.dma_semaphore, #tpu.memory_space<semaphore_mem>>) src(%dma_wait3A_467 : memref<100000x128xf32, #tpu.memory_space<hbm>>) dst(%dma_wait3A_461 : memref<128x128xf32, #tpu.memory_space<vmem>>)
      %dma_start3A_468 = arith.constant 6 : i32
      %dma_start3A_469 = arith.constant 0 : i32
      %dma_start3A_470 = arith.constant 0 : i32
      %dma_start3A_471 = tpu.memref_slice %arg6[%dma_start3A_468, %dma_start3A_469, %dma_start3A_470] : memref<7x128x128xf32, #tpu.memory_space<vmem>> -> memref<1x128x128xf32, #tpu.memory_space<vmem>>
      %dma_start3A_472 = tpu.memref_squeeze %dma_start3A_471 : memref<1x128x128xf32, #tpu.memory_space<vmem>> -> memref<128x128xf32, #tpu.memory_space<vmem>>
      %dma_start3A_473 = arith.constant 0 : i32
      %dma_start3A_474 = tpu.memref_slice %arg4[%add3A_456, %mul3A_2, %dma_start3A_473] : memref<50x4096x128xf32, #tpu.memory_space<hbm>> -> memref<1x128x128xf32, #tpu.memory_space<hbm>>
      %dma_start3A_475 = tpu.memref_squeeze %dma_start3A_474 : memref<1x128x128xf32, #tpu.memory_space<hbm>> -> memref<128x128xf32, #tpu.memory_space<hbm>>
      %dma_start3A_476 = arith.constant 0 : i32
      %dma_start3A_477 = tpu.memref_slice %arg4[%add3A_456, %mul3A_2, %dma_start3A_476] : memref<50x4096x128xf32, #tpu.memory_space<hbm>> -> memref<1x128x128xf32, #tpu.memory_space<hbm>>
      %dma_start3A_478 = tpu.memref_squeeze %dma_start3A_477 : memref<1x128x128xf32, #tpu.memory_space<hbm>> -> memref<128x128xf32, #tpu.memory_space<hbm>>
      %dma_start3A_479 = arith.constant 0 : i32
      %dma_start3A_480 = arith.constant 0 : i32
      %dma_start3A_481 = tpu.memref_slice %arg6[%dma_start3A_468, %dma_start3A_479, %dma_start3A_480] : memref<7x128x128xf32, #tpu.memory_space<vmem>> -> memref<1x128x128xf32, #tpu.memory_space<vmem>>
      %dma_start3A_482 = tpu.memref_squeeze %dma_start3A_481 : memref<1x128x128xf32, #tpu.memory_space<vmem>> -> memref<128x128xf32, #tpu.memory_space<vmem>>
      tpu.enqueue_dma source(%dma_start3A_482 : memref<128x128xf32, #tpu.memory_space<vmem>>) target(%dma_start3A_478 : memref<128x128xf32, #tpu.memory_space<hbm>>) target_semaphore(%arg20 : memref<!tpu.dma_semaphore, #tpu.memory_space<semaphore_mem>>)
      %sub3A_483 = arith.constant 1 : i32
      %sub3A_484 = arith.subi %add3A_456, %sub3A_483 : i32
      %dma_wait3A_485 = arith.constant 5 : i32
      %dma_wait3A_486 = arith.constant 0 : i32
      %dma_wait3A_487 = arith.constant 0 : i32
      %dma_wait3A_488 = tpu.memref_slice %arg6[%dma_wait3A_485, %dma_wait3A_486, %dma_wait3A_487] : memref<7x128x128xf32, #tpu.memory_space<vmem>> -> memref<1x128x128xf32, #tpu.memory_space<vmem>>
      %dma_wait3A_489 = tpu.memref_squeeze %dma_wait3A_488 : memref<1x128x128xf32, #tpu.memory_space<vmem>> -> memref<128x128xf32, #tpu.memory_space<vmem>>
      %dma_wait3A_490 = arith.constant 0 : i32
      %dma_wait3A_491 = tpu.memref_slice %arg4[%sub3A_484, %mul3A_2, %dma_wait3A_490] : memref<50x4096x128xf32, #tpu.memory_space<hbm>> -> memref<1x128x128xf32, #tpu.memory_space<hbm>>
      %dma_wait3A_492 = tpu.memref_squeeze %dma_wait3A_491 : memref<1x128x128xf32, #tpu.memory_space<hbm>> -> memref<128x128xf32, #tpu.memory_space<hbm>>
      %dma_wait3A_493 = arith.constant 0 : i32
      %dma_wait3A_494 = tpu.memref_slice %arg4[%sub3A_484, %mul3A_2, %dma_wait3A_493] : memref<50x4096x128xf32, #tpu.memory_space<hbm>> -> memref<1x128x128xf32, #tpu.memory_space<hbm>>
      %dma_wait3A_495 = tpu.memref_squeeze %dma_wait3A_494 : memref<1x128x128xf32, #tpu.memory_space<hbm>> -> memref<128x128xf32, #tpu.memory_space<hbm>>
      %dma_wait3A_496 = arith.constant 0 : i32
      %dma_wait3A_497 = arith.constant 0 : i32
      %dma_wait3A_498 = tpu.memref_slice %arg6[%dma_wait3A_485, %dma_wait3A_496, %dma_wait3A_497] : memref<7x128x128xf32, #tpu.memory_space<vmem>> -> memref<1x128x128xf32, #tpu.memory_space<vmem>>
      %dma_wait3A_499 = tpu.memref_squeeze %dma_wait3A_498 : memref<1x128x128xf32, #tpu.memory_space<vmem>> -> memref<128x128xf32, #tpu.memory_space<vmem>>
      tpu.wait_dma2 semaphore(%arg19 : memref<!tpu.dma_semaphore, #tpu.memory_space<semaphore_mem>>) src(%dma_wait3A_499 : memref<128x128xf32, #tpu.memory_space<vmem>>) dst(%dma_wait3A_495 : memref<128x128xf32, #tpu.memory_space<hbm>>)
      %add3A_500 = arith.constant 7 : i32
      %add3A_501 = arith.addi %add3A_456, %add3A_500 : i32
      %sub3A_502 = arith.constant 1 : i32
      %sub3A_503 = arith.subi %add3A_501, %sub3A_502 : i32
      %lt3A_504 = arith.constant 50 : i32
      %lt3A_505 = arith.cmpi slt, %sub3A_503, %lt3A_504 : i32
      %convert_element_type3A_506 = arith.extui %lt3A_505 : i1 to i32
      %cond3A_507 = arith.constant 0 : i32
      %cond3A_508 = arith.cmpi ne, %convert_element_type3A_506, %cond3A_507 : i32
      scf.if %cond3A_508 {
        %add3A_509 = arith.constant 7 : i32
        %add3A_510 = arith.addi %add3A_456, %add3A_509 : i32
        %sub3A_511 = arith.constant 1 : i32
        %sub3A_512 = arith.subi %add3A_510, %sub3A_511 : i32
        %dma_start3A_513 = arith.constant 5 : i32
        %dma_start3A_514 = arith.constant 0 : i32
        %dma_start3A_515 = arith.constant 0 : i32
        %dma_start3A_516 = tpu.memref_slice %arg6[%dma_start3A_513, %dma_start3A_514, %dma_start3A_515] : memref<7x128x128xf32, #tpu.memory_space<vmem>> -> memref<1x128x128xf32, #tpu.memory_space<vmem>>
        %dma_start3A_517 = tpu.memref_squeeze %dma_start3A_516 : memref<1x128x128xf32, #tpu.memory_space<vmem>> -> memref<128x128xf32, #tpu.memory_space<vmem>>
        %dma_start3A_518 = arith.constant 0 : i32
        %dma_start3A_519 = tpu.memref_slice %arg5[%sub3A_512, %dma_start3A_518] : memref<50x128xi32, #tpu.memory_space<vmem>> -> memref<1x128xi32, #tpu.memory_space<vmem>>
        %dma_start3A_520 = tpu.memref_squeeze %dma_start3A_519 : memref<1x128xi32, #tpu.memory_space<vmem>> -> memref<128xi32, #tpu.memory_space<vmem>>
        %dma_start3A_521 = arith.constant 0 : i32
        %dma_start3A_522 = arith.constant 0 : i32
        %dma_start3A_523 = tpu.memref_slice %arg3[%dma_start3A_521, %dma_start3A_522] : memref<100000x128xf32, #tpu.memory_space<hbm>> -> memref<100000x128xf32, #tpu.memory_space<hbm>>
        tpu.enqueue_indirect_dma source(%dma_start3A_523 : memref<100000x128xf32, #tpu.memory_space<hbm>>) target(%dma_start3A_517 : memref<128x128xf32, #tpu.memory_space<vmem>>) offsets(%dma_start3A_520 : memref<128xi32, #tpu.memory_space<vmem>>) semaphore(%arg12 : memref<!tpu.dma_semaphore, #tpu.memory_space<semaphore_mem>>)
      } else {
      }
    }
    %scan3A_78 = arith.constant 7 : i32
    %dma_wait3A = arith.constant 49 : i32
    %dma_wait3A_79 = arith.constant 0 : i32
    %dma_wait3A_80 = arith.constant 0 : i32
    %dma_wait3A_81 = arith.constant 0 : i32
    %dma_wait3A_82 = tpu.memref_slice %arg6[%dma_wait3A_79, %dma_wait3A_80, %dma_wait3A_81] : memref<7x128x128xf32, #tpu.memory_space<vmem>> -> memref<1x128x128xf32, #tpu.memory_space<vmem>>
    %dma_wait3A_83 = tpu.memref_squeeze %dma_wait3A_82 : memref<1x128x128xf32, #tpu.memory_space<vmem>> -> memref<128x128xf32, #tpu.memory_space<vmem>>
    %dma_wait3A_84 = arith.constant 0 : i32
    %dma_wait3A_85 = tpu.memref_slice %arg5[%dma_wait3A, %dma_wait3A_84] : memref<50x128xi32, #tpu.memory_space<vmem>> -> memref<1x128xi32, #tpu.memory_space<vmem>>
    %dma_wait3A_86 = tpu.memref_squeeze %dma_wait3A_85 : memref<1x128xi32, #tpu.memory_space<vmem>> -> memref<128xi32, #tpu.memory_space<vmem>>
    %dma_wait3A_87 = arith.constant 0 : i32
    %dma_wait3A_88 = arith.constant 0 : i32
    %dma_wait3A_89 = tpu.memref_slice %arg3[%dma_wait3A_87, %dma_wait3A_88] : memref<100000x128xf32, #tpu.memory_space<hbm>> -> memref<100000x128xf32, #tpu.memory_space<hbm>>
    tpu.wait_indirect_dma semaphore(%arg7 : memref<!tpu.dma_semaphore, #tpu.memory_space<semaphore_mem>>) src(%dma_wait3A_89 : memref<100000x128xf32, #tpu.memory_space<hbm>>) dst(%dma_wait3A_83 : memref<128x128xf32, #tpu.memory_space<vmem>>)
    %dma_start3A_90 = arith.constant 0 : i32
    %dma_start3A_91 = arith.constant 49 : i32
    %dma_start3A_92 = arith.constant 0 : i32
    %dma_start3A_93 = arith.constant 0 : i32
    %dma_start3A_94 = tpu.memref_slice %arg6[%dma_start3A_90, %dma_start3A_92, %dma_start3A_93] : memref<7x128x128xf32, #tpu.memory_space<vmem>> -> memref<1x128x128xf32, #tpu.memory_space<vmem>>
    %dma_start3A_95 = tpu.memref_squeeze %dma_start3A_94 : memref<1x128x128xf32, #tpu.memory_space<vmem>> -> memref<128x128xf32, #tpu.memory_space<vmem>>
    %dma_start3A_96 = arith.constant 0 : i32
    %dma_start3A_97 = tpu.memref_slice %arg4[%dma_start3A_91, %mul3A_2, %dma_start3A_96] : memref<50x4096x128xf32, #tpu.memory_space<hbm>> -> memref<1x128x128xf32, #tpu.memory_space<hbm>>
    %dma_start3A_98 = tpu.memref_squeeze %dma_start3A_97 : memref<1x128x128xf32, #tpu.memory_space<hbm>> -> memref<128x128xf32, #tpu.memory_space<hbm>>
    %dma_start3A_99 = arith.constant 0 : i32
    %dma_start3A_100 = tpu.memref_slice %arg4[%dma_start3A_91, %mul3A_2, %dma_start3A_99] : memref<50x4096x128xf32, #tpu.memory_space<hbm>> -> memref<1x128x128xf32, #tpu.memory_space<hbm>>
    %dma_start3A_101 = tpu.memref_squeeze %dma_start3A_100 : memref<1x128x128xf32, #tpu.memory_space<hbm>> -> memref<128x128xf32, #tpu.memory_space<hbm>>
    %dma_start3A_102 = arith.constant 0 : i32
    %dma_start3A_103 = arith.constant 0 : i32
    %dma_start3A_104 = tpu.memref_slice %arg6[%dma_start3A_90, %dma_start3A_102, %dma_start3A_103] : memref<7x128x128xf32, #tpu.memory_space<vmem>> -> memref<1x128x128xf32, #tpu.memory_space<vmem>>
    %dma_start3A_105 = tpu.memref_squeeze %dma_start3A_104 : memref<1x128x128xf32, #tpu.memory_space<vmem>> -> memref<128x128xf32, #tpu.memory_space<vmem>>
    tpu.enqueue_dma source(%dma_start3A_105 : memref<128x128xf32, #tpu.memory_space<vmem>>) target(%dma_start3A_101 : memref<128x128xf32, #tpu.memory_space<hbm>>) target_semaphore(%arg14 : memref<!tpu.dma_semaphore, #tpu.memory_space<semaphore_mem>>)
    %dma_wait3A_106 = arith.constant 6 : i32
    %dma_wait3A_107 = arith.constant 48 : i32
    %dma_wait3A_108 = arith.constant 0 : i32
    %dma_wait3A_109 = arith.constant 0 : i32
    %dma_wait3A_110 = tpu.memref_slice %arg6[%dma_wait3A_106, %dma_wait3A_108, %dma_wait3A_109] : memref<7x128x128xf32, #tpu.memory_space<vmem>> -> memref<1x128x128xf32, #tpu.memory_space<vmem>>
    %dma_wait3A_111 = tpu.memref_squeeze %dma_wait3A_110 : memref<1x128x128xf32, #tpu.memory_space<vmem>> -> memref<128x128xf32, #tpu.memory_space<vmem>>
    %dma_wait3A_112 = arith.constant 0 : i32
    %dma_wait3A_113 = tpu.memref_slice %arg4[%dma_wait3A_107, %mul3A_2, %dma_wait3A_112] : memref<50x4096x128xf32, #tpu.memory_space<hbm>> -> memref<1x128x128xf32, #tpu.memory_space<hbm>>
    %dma_wait3A_114 = tpu.memref_squeeze %dma_wait3A_113 : memref<1x128x128xf32, #tpu.memory_space<hbm>> -> memref<128x128xf32, #tpu.memory_space<hbm>>
    %dma_wait3A_115 = arith.constant 0 : i32
    %dma_wait3A_116 = tpu.memref_slice %arg4[%dma_wait3A_107, %mul3A_2, %dma_wait3A_115] : memref<50x4096x128xf32, #tpu.memory_space<hbm>> -> memref<1x128x128xf32, #tpu.memory_space<hbm>>
    %dma_wait3A_117 = tpu.memref_squeeze %dma_wait3A_116 : memref<1x128x128xf32, #tpu.memory_space<hbm>> -> memref<128x128xf32, #tpu.memory_space<hbm>>
    %dma_wait3A_118 = arith.constant 0 : i32
    %dma_wait3A_119 = arith.constant 0 : i32
    %dma_wait3A_120 = tpu.memref_slice %arg6[%dma_wait3A_106, %dma_wait3A_118, %dma_wait3A_119] : memref<7x128x128xf32, #tpu.memory_space<vmem>> -> memref<1x128x128xf32, #tpu.memory_space<vmem>>
    %dma_wait3A_121 = tpu.memref_squeeze %dma_wait3A_120 : memref<1x128x128xf32, #tpu.memory_space<vmem>> -> memref<128x128xf32, #tpu.memory_space<vmem>>
    tpu.wait_dma2 semaphore(%arg20 : memref<!tpu.dma_semaphore, #tpu.memory_space<semaphore_mem>>) src(%dma_wait3A_121 : memref<128x128xf32, #tpu.memory_space<vmem>>) dst(%dma_wait3A_117 : memref<128x128xf32, #tpu.memory_space<hbm>>)
    %dma_wait3A_122 = arith.constant 0 : i32
    %dma_wait3A_123 = arith.constant 49 : i32
    %dma_wait3A_124 = arith.constant 0 : i32
    %dma_wait3A_125 = arith.constant 0 : i32
    %dma_wait3A_126 = tpu.memref_slice %arg6[%dma_wait3A_122, %dma_wait3A_124, %dma_wait3A_125] : memref<7x128x128xf32, #tpu.memory_space<vmem>> -> memref<1x128x128xf32, #tpu.memory_space<vmem>>
    %dma_wait3A_127 = tpu.memref_squeeze %dma_wait3A_126 : memref<1x128x128xf32, #tpu.memory_space<vmem>> -> memref<128x128xf32, #tpu.memory_space<vmem>>
    %dma_wait3A_128 = arith.constant 0 : i32
    %dma_wait3A_129 = tpu.memref_slice %arg4[%dma_wait3A_123, %mul3A_2, %dma_wait3A_128] : memref<50x4096x128xf32, #tpu.memory_space<hbm>> -> memref<1x128x128xf32, #tpu.memory_space<hbm>>
    %dma_wait3A_130 = tpu.memref_squeeze %dma_wait3A_129 : memref<1x128x128xf32, #tpu.memory_space<hbm>> -> memref<128x128xf32, #tpu.memory_space<hbm>>
    %dma_wait3A_131 = arith.constant 0 : i32
    %dma_wait3A_132 = tpu.memref_slice %arg4[%dma_wait3A_123, %mul3A_2, %dma_wait3A_131] : memref<50x4096x128xf32, #tpu.memory_space<hbm>> -> memref<1x128x128xf32, #tpu.memory_space<hbm>>
    %dma_wait3A_133 = tpu.memref_squeeze %dma_wait3A_132 : memref<1x128x128xf32, #tpu.memory_space<hbm>> -> memref<128x128xf32, #tpu.memory_space<hbm>>
    %dma_wait3A_134 = arith.constant 0 : i32
    %dma_wait3A_135 = arith.constant 0 : i32
    %dma_wait3A_136 = tpu.memref_slice %arg6[%dma_wait3A_122, %dma_wait3A_134, %dma_wait3A_135] : memref<7x128x128xf32, #tpu.memory_space<vmem>> -> memref<1x128x128xf32, #tpu.memory_space<vmem>>
    %dma_wait3A_137 = tpu.memref_squeeze %dma_wait3A_136 : memref<1x128x128xf32, #tpu.memory_space<vmem>> -> memref<128x128xf32, #tpu.memory_space<vmem>>
    tpu.wait_dma2 semaphore(%arg14 : memref<!tpu.dma_semaphore, #tpu.memory_space<semaphore_mem>>) src(%dma_wait3A_137 : memref<128x128xf32, #tpu.memory_space<vmem>>) dst(%dma_wait3A_133 : memref<128x128xf32, #tpu.memory_space<hbm>>)
    return
  }
}

</mosaic_0001>

<sc_bundles>
// kernel: kernel.3.cloned.1.call-start
scs
__scs_entry_jumppad:
0x0: {  	(pc) =	sbr.rel $0x88, $3  }
0x1: {  	(tag) =	ssettag $0x0;
	lr =	simm.s32 $0x1  }
0x2: {  	[smem:$0x3F9F] =	sst lr;
	_ =	strace $0xD0000000  }
0x3: {  	_ = 	snop  }
0x4: {  	_ = 	snop  }
0x5: {  	_ = 	snop  }
0x6: {  	_ = 	snop  }
0x7: {  	_ = 	snop  }
__scs_overlays_trampoline_lowered:
0x8: {  	[smem:$0x3FAE] =	sst s0  }
0x9: {  	[smem:$0x3FAF] =	sst s1  }
0xa: {  	[smem:$0x3FB0] =	sst s2  }
0xb: {  	[smem:$0x3FB1] =	sst s3  }
0xc: {  	[smem:$0x3FB2] =	sst s4  }
0xd: {  	[smem:$0x3FB3] =	sst s5  }
0xe: {  	[smem:$0x3FB4] =	sst s6  }
0xf: {  	[smem:$0x3FB5] =	sst s7  }
0x10: {  	[smem:$0x3FB6] =	sst s8  }
0x11: {  	[smem:$0x3FB7] =	sst s9;
	s0 =	simm.s32 @!p0 $0x0  }
0x12: {  	s1 =	sld [smem:$0x3F9D];
	s0 =	simm.s32 @p0 $0x1  }
0x13: {  	[smem:$0x3FB8] =	sst s0;
	s0 =	simm.s32 @!p1 $0x0  }
0x14: {  	s2 =	sld [smem:$0x3F9C];
	s0 =	simm.s32 @p1 $0x1  }
0x15: {  	[smem:$0x3FB9] =	sst s0;
	s0 =	simm.s32 @!p2 $0x0  }
0x16: {  	s3 =	sld [smem:$0x3FDB];
	s0 =	simm.s32 @p2 $0x1  }
0x17: {  	s4 =	simm.s32 $0x1BF5;
	[smem:$0x3FBB] =	sst s0  }
0x18: {  	s0 =	sld [smem:$0x3F9E];
	_ =	swait.ge [sflag:s4], $0x0  }
0x19: {  	s7 =	sld [smem:$0x3F9F]  }
0x1a: {  	s8 =	sadd.s32 $0xFFFFE003, lr  }
0x1b: {  	s9 =	sadd.s32 $0xFFFFFEF7, lr;
	s5 =	simm.s32 $0xFFFFFFFF;
	p2 =	slt.u32 s8, $0xFFFFF086  }
0x1c: {  	p1 =	slt.u32 s9, $0xF7A;
	s5 =	simm.s32 @!p2 $0x0  }
0x1d: {  	s5 =	simm.s32 @p1 $0x1;
	p0 =	seq.s32 s7, s2  }
0x1e: {  	s7 =	smul.u32 @!p0 $0xF7A, s2;
	p2 =	seq.s32 @!p0 s5, $0x0  }
0x1f: {  	s9 =	smul.u32 $0xF7A, s1;
	s8 =	simm.s32 @!p0 $0x1BF5;
	p2 =	por !p2, p0  }
0x20: {  	[sflag:s8] =	ssyncset.s32 @!p0 $0xFFFFF086;
	s6 =	sadd.s32 @!p0 s3, s7;
	s7 =	simm.s32 @!p0 $0x108  }
0x21: {  	s3 =	sadd.s32 s3, s9;
	s6 =	sadd.s32 @!p0 $0x88, s6;
	s7 =	simm.s32 @p2 $0x1082  }
0x22: {  	[simem:s7], [sflag:s8] =	dma.local @!p0 [hbm:s6], $0xF7A  }
0x23: {  	s9 =	sor.u32 $0xD0000000, s2;
	s6 =	simm.s32 $0x108;
	_ =	swait.ge @!p0 [sflag:s8], $0x0  }
0x24: {  	s3 =	sadd.s32 $0x88, s3;
	s6 =	simm.s32 @!p1 $0x1082;
	[sflag:s4] =	ssyncset.s32 $0xFFFFF086  }
0x25: {  	[simem:s6], [sflag:s4] =	dma.local [hbm:s3], $0xF7A  }
0x26: {  	[smem:$0x3F9F] =	sst s1;
	(tag) =	ssettag s2;
	_ =	strace s9  }
0x27: {  	s1 =	sld [smem:$0x3FAF]  }
0x28: {  	s2 =	sld [smem:$0x3FB0]  }
0x29: {  	s4 =	sld [smem:$0x3FB2]  }
0x2a: {  	p0 =	seq.s32 s5, $0x0;
	s5 =	sld [smem:$0x3FB3]  }
0x2b: {  	s6 =	sld [smem:$0x3FB4]  }
0x2c: {  	s7 =	sld [smem:$0x3FB5]  }
0x2d: {  	s3 =	simm.s32 $0x108;
	s8 =	sld [smem:$0x3FB6]  }
0x2e: {  	s3 =	simm.s32 @!p0 $0x1082;
	s9 =	sld [smem:$0x3FB7]  }
0x2f: {  	lr =	sadd.s32 s0, s3;
	s0 =	sld [smem:$0x3FAE]  }
0x30: {  	s3 =	sld [smem:$0x3FB1]  }
0x31: {  	[smem:$0x3FBA] =	sst s10  }
0x32: {  	s10 =	sld [smem:$0x3FB8];
	_ =	sdelay $0x3  }
0x33: {  	p0 =	seq.s32 s10, $0x1;
	s10 =	sld [smem:$0x3FBA];
	_ =	sdelay $0x3  }
0x34: {  	[smem:$0x3FBA] =	sst s10  }
0x35: {  	s10 =	sld [smem:$0x3FB9];
	_ =	sdelay $0x3  }
0x36: {  	p1 =	seq.s32 s10, $0x1;
	s10 =	sld [smem:$0x3FBA];
	_ =	sdelay $0x3  }
0x37: {  	[smem:$0x3FBA] =	sst s10  }
0x38: {  	s10 =	sld [smem:$0x3FBB]  }
0x39: {  	_ = 	snop;
	(pc) =	sbr.ind lr, $3  }
0x3a: {  	_ = 	snop  }
0x3b: {  	_ = 	snop  }
0x3c: {  	p2 =	seq.s32 s10, $0x1;
	s10 =	sld [smem:$0x3FBA]  }
0x3d: {  	_ =	shalt  }
0x3e: {  	_ =	shalt  }
0x3f: {  	_ =	shalt  }
0x40: {  	_ =	shalt  }
0x41: {  	_ =	shalt  }
0x42: {  	_ =	shalt  }
0x43: {  	_ =	shalt  }
0x44: {  	_ =	shalt  }
0x45: {  	_ =	shalt  }
0x46: {  	_ =	shalt  }
0x47: {  	_ =	shalt  }
0x48: {  	_ =	shalt  }
0x49: {  	_ =	shalt  }
0x4a: {  	_ =	shalt  }
0x4b: {  	_ =	shalt  }
0x4c: {  	_ =	shalt  }
0x4d: {  	_ =	shalt  }
0x4e: {  	_ =	shalt  }
0x4f: {  	_ =	shalt  }
0x50: {  	_ =	shalt  }
0x51: {  	_ =	shalt  }
0x52: {  	_ =	shalt  }
0x53: {  	_ =	shalt  }
0x54: {  	_ =	shalt  }
0x55: {  	_ =	shalt  }
0x56: {  	_ =	shalt  }
0x57: {  	_ =	shalt  }
0x58: {  	_ =	shalt  }
0x59: {  	_ =	shalt  }
0x5a: {  	_ =	shalt  }
0x5b: {  	_ =	shalt  }
0x5c: {  	_ =	shalt  }
0x5d: {  	_ =	shalt  }
0x5e: {  	_ =	shalt  }
0x5f: {  	_ =	shalt  }
0x60: {  	_ =	shalt  }
0x61: {  	_ =	shalt  }
0x62: {  	_ =	shalt  }
0x63: {  	_ =	shalt  }
0x64: {  	_ =	shalt  }
0x65: {  	_ =	shalt  }
0x66: {  	_ =	shalt  }
0x67: {  	_ =	shalt  }
0x68: {  	_ =	shalt  }
0x69: {  	_ =	shalt  }
0x6a: {  	_ =	shalt  }
0x6b: {  	_ =	shalt  }
0x6c: {  	_ =	shalt  }
0x6d: {  	_ =	shalt  }
0x6e: {  	_ =	shalt  }
0x6f: {  	_ =	shalt  }
0x70: {  	_ =	shalt  }
0x71: {  	_ =	shalt  }
0x72: {  	_ =	shalt  }
0x73: {  	_ =	shalt  }
0x74: {  	_ =	shalt  }
0x75: {  	_ =	shalt  }
0x76: {  	_ =	shalt  }
0x77: {  	_ =	shalt  }
0x78: {  	_ =	shalt  }
0x79: {  	_ =	shalt  }
0x7a: {  	_ =	shalt  }
0x7b: {  	_ =	shalt  }
0x7c: {  	_ =	shalt  }
0x7d: {  	_ =	shalt  }
0x7e: {  	_ =	shalt  }
0x7f: {  	_ =	shalt  }
0x80: {  	_ =	shalt  }
0x81: {  	_ =	shalt  }
0x82: {  	_ =	shalt  }
0x83: {  	_ =	shalt  }
0x84: {  	_ =	shalt  }
0x85: {  	_ =	shalt  }
0x86: {  	_ =	shalt  }
0x87: {  	_ =	shalt  }
.Lfunc_end0:
.L_simem_size_0:
called_computation_lowered:
.L_overlay_start_0:
0x88: {  	s2 =	sld [smem:$0x3FD9]  }
0x89: {  	s3 =	sld [smem:$0x3FFE];
	_ =	sdelay $0x1  }
0x8a: {  	s1 =	srdreg.scid  }
0x8b: {  	s0 =	sand.u32 $0x1, s1  }
0x8c: {  	s18 =	sshll.u32 s0, $0xA;
	s2 =	sadd.s32 s3, s2  }
0x8d: {  	s2 =	sadd.s32 s2, s18  }
0x8e: {  	[smem:$0x3FC6] =	sst s2  }
0x8f: {  	_ = 	snop  }
0x90: {  	s2 =	sld [smem:$0x3FC9]  }
0x91: {  	s19 =	sld [smem:$0x3FC8]  }
0x92: {  	s4 =	sld [smem:$0x3FD0];
	(tm) =	ssettm $0x1  }
0x93: {  	s5 =	sld [smem:$0x3FFB];
	_ =	sdelay $0x3  }
0x94: {  	_ =	strace s5  }
0x95: {  	s5 =	sld [smem:$0x3FFC];
	_ =	sdelay $0x3  }
0x96: {  	_ =	strace s5  }
0x97: {  	s5 =	sld [smem:$0x3FFD];
	_ =	sdelay $0x3  }
0x98: {  	_ =	strace s5  }
0x99: {  	_ =	strace $0x8FFFFFFF  }
0x9a: {  	s20 =	sld [smem:$0x3FDB];
	_ =	sdelay $0x1  }
0x9b: {  	s6 =	simm.s32 $_scs_section_size  }
0x9c: {  	s7 =	simm.s32 $_size__tile_overlayer_lowered;
	s8 =	simm.s32 $_tile_overlayer_lowered  }
0x9d: {  	s23 =	simm.s32 $0x1BFF;
	s22 =	sshll.u32 s8, $0x1;
	s5 =	sadd.s32 s6, s20  }
0x9e: {  	s9 =	simm.s32 $0x0;
	s21 =	sshll.u32 s7, $0x1;
	s7 =	sadd.s32 s22, s5  }
0x9f: {  	[timem:s9], [sflag:s23] =	dma.local [hbm:s7], s21  }
0xa0: {  	_ =	swait.ge [sflag:s23], s21  }
0xa1: {  	s6 =	ssub.s32 $0x0, s21;
	[sflag:s23] =	ssyncset.done $0x0  }
0xa2: {  	[sflag:s23] =	ssyncadd.s32 s6;
	_ =	sdelay $0x1  }
0xa3: {  	s24 =	simm.s32 $0x1B8B  }
0xa4: {  	_ =	swait.ge [sflag:s24], $0x1  }
0xa5: {  	[sflag:s24] =	ssyncset.done $0x0  }
0xa6: {  	s25 =	simm.s32 $0x1B8E;
	[sflag:s24] =	ssyncadd.s32 $0xFFFFFFFF  }
0xa7: {  	s26 =	simm.s32 $execute0_lowered;
	[smem:$0x3FD2] =	sst s25  }
0xa8: {  	s6 =	sshll.u32 s26, $0x1;
	_ =	strace $0x80000046;
	[dreg:$0x1] =	wrdreg $0xFFFFFFFF  }
0xa9: {  	s28 =	simm.s32 $_size_execute0_lowered;
	s5 =	sadd.s32 s5, s6;
	[dreg:$0x0] =	wrdreg $0x0  }
0xaa: {  	s6 =	sshll.u32 s28, $0x1;
	[dreg:$0x2] =	wrdreg s5  }
0xab: {  	[dreg:$0x3] =	wrdreg s6  }
0xac: {  	[dreg:$0x4] =	wrdreg $0xC0  }
0xad: {  	_ =	task [dreg:s9], $0x5FFFF  }
0xae: {  	[dreg:$0x1] =	wrdreg $0xFFFFFFFF  }
0xaf: {  	[dreg:$0x0] =	wrdreg $0x60  }
0xb0: {  	[dreg:$0x2] =	wrdreg s2  }
0xb1: {  	[dreg:$0x3] =	wrdreg s19  }
0xb2: {  	[dreg:$0x4] =	wrdreg s4  }
0xb3: {  	[dreg:$0x5] =	wrdreg $0x9  }
0xb4: {  	_ =	task.clear_ibuf [dreg:s9], $0x6FFFF;
	_ =	strace $0x90000046  }
0xb5: {  	s29 =	simm.s32 $0x9;
	_ =	strace $0x80000048  }
0xb6: {  	_ =	swait.ge [sflag:s29], $0x1  }
0xb7: {  	[sflag:s29] =	ssyncadd.s32 $0xFFFFFFFF  }
0xb8: {  	_ =	strace $0x90000048  }
0xb9: {  	_ =	sfence  }
0xba: {  	s30 =	sld [smem:$0x0];
	_ =	sdelay $0x2  }
0xbb: {  	s31 =	sshll.u32 s1, $0xD;
	s1 =	sshrl.u32 s1, $0x2  }
0xbc: {  	s3 =	sand.u32 $0x4000, s31;
	s1 =	sadd.s32 s1, s30  }
0xbd: {  	s0 =	sor.u32 s3, s0;
	s1 =	sshll.u32 s1, $0x11  }
0xbe: {  	s0 =	sor.u32 s1, s0  }
0xbf: {  	s0 =	sadd.s32 $0x8F2B, s0  }
0xc0: {  	[sflag:s0] =	ssyncadd.remote.s32 $0x1  }
0xc1: {  	_ =	sfence.sel $0xFFFF  }
0xc2: {  	[dreg:$0x0] =	wrdreg $0xFFFFFFFF;
	(pc) =	sbr.abs _section_cstart, $3  }
0xc3: {  	[dreg:$0x1] =	wrdreg $0xFFFFFFFF  }
0xc4: {  	_ =	task.clear_ibuf [dreg:s9], $0x2FFFF;
	_ =	strace $0x9FFFFFFF  }
0xc5: {  	(tm) =	ssettm $0x7FFFFFFF  }
tec
execute0_lowered:
.L_overlay_start_1:
0x0: {  	(tag) =	ssettag $0x1  }
0x1: {  	s0 =	rddreg [dreg:$0x0]  }
0x2: {  	s1 =	rddreg [dreg:$0x1]  }
0x3: {  	s2 =	rddreg [dreg:$0x2];
	s4 =	srdreg.scid;
	s3 =	simm.s32 $0x0  }
0x4: {  	s9 =	stileid.u32;
	s30 =	simm.s32 $0x15C00;
	s31 =	simm.s32 $0x1  }
0x5: {  	s29 =	simm.s32 $0xB;
	s4 =	sand.u32 $0x1, s4;
	[smem:$0x7FF] =	sst s3  }
0x6: {  	s7 =	sshll.u32 s9, $0x8;
	s15 =	sshll.u32 s9, $0xF;
	s5 =	ssub.s32 $0x2, s4  }
0x7: {  	s8 =	sshll.u32 s4, $0x7;
	_ =	strace $0x80000047;
	s4 =	sshll.u32 s4, $0xE  }
0x8: {  	s6 =	sshrl.u32 s5, $0x1;
	s14 =	sor.u32 s8, s7;
	s4 =	sor.u32 s4, s15  }
0x9: {  	s15 =	simm.s32 $0x8;
	s5 =	ssub.s32 s5, s6;
	s7 =	sshll.u32 s14, $0x4  }
0xa: {  	s6 =	sadd.s32 s0, s14;
	s17 =	sor.u32 $0x300000, s4;
	s18 =	sor.u32 $0x280000, s4  }
0xb: {  	s20 =	sor.u32 $0x200000, s4;
	s22 =	sor.u32 $0x180000, s4;
	s24 =	sor.u32 $0x100000, s4  }
0xc: {  	s26 =	sor.u32 $0x80000, s4;
	s4 =	sshrl.u32 s4, $0x3;
	s16 =	sadd.s32 s7, s2  }
0xd: {  	[dreg:$0x4] =	wrdreg s6;
	s6 =	sadd.s32 $0x6000, s6;
	s5 =	smax.u32 s5, $0x1  }
0xe: {  	s19 =	sshrl.u32 s18, $0x3;
	s21 =	sshrl.u32 s20, $0x3;
	s23 =	sshrl.u32 s22, $0x3  }
0xf: {  	s25 =	sshrl.u32 s24, $0x3;
	s28 =	sshrl.u32 s26, $0x3;
	s14 =	sadd.s32 s4, s2  }
0x10: {  	s20 =	simm.s32 $0x1C00;
	s22 =	simm.s32 $0x4;
	s24 =	simm.s32 $0xA  }
0x11: {  	s26 =	simm.s32 $0x5;
	s4 =	simm.s32 $0x7;
	s7 =	simm.s32 $0xD  }
0x12: {  	s18 =	simm.s32 $0x0;
	[dreg:$0x5] =	wrdreg s6;
	s0 =	sadd.s32 $0x310000, s16  }
0x13: {  	[dreg:$0x7] =	wrdreg s5;
	s9 =	sadd.s32 s19, s2;
	s10 =	sadd.s32 s21, s2  }
.Ltmp0:
0x14: {  	s11 =	sadd.s32 s23, s2;
	s12 =	sadd.s32 s25, s2;
	(pc) =	sbr.rel .LBB2_1-.Ltmp0, $4  }
0x15: {  	s13 =	sadd.s32 s28, s2;
	s19 =	simm.s32 $0x80;
	s16 =	simm.s32 $0x3  }
0x16: {  	s5 =	simm.s32 $0x6;
	[dreg:$0x6] =	wrdreg s0;
	s0 =	sshrl.u32 s17, $0x3  }
0x17: {  	s6 =	simm.s32 $0xC;
	s17 =	simm.s32 $0x9;
	s0 =	sadd.s32 s0, s2  }
0x18: {  	s2 =	simm.s32 $0x2;
	[dreg:$0x8] =	wrdreg s0;
	s0 =	simm.s32 $0x19C00  }
.LBB2_4:
0x19: {  	_ =	swait.ge [sflag:s31], $0x4000  }
0x1a: {  	[sflag:s31] =	ssyncset.done $0x0  }
0x1b: {  	s25 =	simm.s32 $0xE;
	s8 =	rddreg [dreg:$0x6];
	[sflag:s31] =	ssyncadd.s32 $0xFFFFC000  }
0x1c: {  	[hbm4b:s8+s3] =	stream.linear.scatter [tilespmem:s20], [sflag:$0x8], $0x4000, $0x38;
	[tilespmem:$0x1DC00] =	vst v63  }
0x1d: {  	_ =	swait.ge [sflag:s25], $0x4000  }
0x1e: {  	[sflag:s25] =	ssyncset.done $0x0  }
0x1f: {  	[sflag:s25] =	ssyncadd.s32 $0xFFFFC000  }
0x20: {  	_ =	swait.ge [sflag:s15], $0x4000  }
0x21: {  	s18 =	rddreg [dreg:$0x9]  }
0x22: {  	s28 =	rddreg [dreg:$0x7];
	s18 =	sadd.s32 $0x1, s18  }
0x23: {  	p0 =	sne.s32 s18, s28  }
.Ltmp1:
0x24: {  	_ = 	snop;
	(pc) =	sbr.rel @!p0 .LBB2_5-.Ltmp1, $3  }
0x25: {  	_ =	sdelay $0x1  }
0x26: {  	[sflag:s15] =	ssyncset.done $0x0  }
0x27: {  	[sflag:s15] =	ssyncadd.s32 $0xFFFFC000  }
.LBB2_1:
0x28: {  	[dreg:$0x9] =	wrdreg s18  }
0x29: {  	s8 =	rddreg [dreg:$0x4];
	s23 =	simm.s32 $0x400;
	s21 =	simm.s32 $0x8000  }
0x2a: {  	[tilespmem:s3], [sflag:$0xF] =	stream.strided.gather [hbm4b:s8+s23], $0x1800, s21, s23, $0x38;
	[tilespmem:$0x1DC00] =	vst v63  }
0x2b: {  	s25 =	rddreg [dreg:$0x5];
	s28 =	simm.s32 $0x1800;
	s21 =	simm.s32 $0xF  }
0x2c: {  	[tilespmem:s28], [sflag:$0xF] =	stream.linear.gather [hbm4b:s25+s3], $0x100, $0x38;
	[tilespmem:$0x1DC00] =	vst v63  }
0x2d: {  	_ =	swait.ge [sflag:s21], $0x1900  }
0x2e: {  	[sflag:s21] =	ssyncset.done $0x0  }
0x2f: {  	[sflag:s21] =	ssyncadd.s32 $0xFFFFE700  }
0x30: {  	[tilespmem:s20], [sflag:$0x1] =	stream.indirect.gather [hbm4b:s1+s19], $0x80, s3, s19, $0xb8;
	[tilespmem:$0x1DC00] =	vst v63  }
0x31: {  	s23 =	simm.s32 $0x5C00  }
0x32: {  	[tilespmem:s23], [sflag:$0x2] =	stream.indirect.gather [hbm4b:s1+s19], $0x80, s19, s19, $0xb8;
	[tilespmem:$0x1DC00] =	vst v63  }
0x33: {  	s25 =	simm.s32 $0x100;
	s28 =	simm.s32 $0x9C00  }
0x34: {  	[tilespmem:s28], [sflag:$0x3] =	stream.indirect.gather [hbm4b:s1+s19], $0x80, s25, s19, $0xb8;
	[tilespmem:$0x1DC00] =	vst v63  }
0x35: {  	s18 =	simm.s32 $0x180;
	s21 =	simm.s32 $0xDC00  }
0x36: {  	[tilespmem:s21], [sflag:$0x4] =	stream.indirect.gather [hbm4b:s1+s19], $0x80, s18, s19, $0xb8;
	[tilespmem:$0x1DC00] =	vst v63  }
0x37: {  	s23 =	simm.s32 $0x200;
	s25 =	simm.s32 $0x11C00  }
0x38: {  	[tilespmem:s25], [sflag:$0x5] =	stream.indirect.gather [hbm4b:s1+s19], $0x80, s23, s19, $0xb8;
	[tilespmem:$0x1DC00] =	vst v63  }
0x39: {  	s28 =	simm.s32 $0x280;
	s18 =	simm.s32 $0x0;
	s21 =	simm.s32 $0x0  }
0x3a: {  	[tilespmem:s30], [sflag:$0x6] =	stream.indirect.gather [hbm4b:s1+s19], $0x80, s28, s19, $0xb8;
	[tilespmem:$0x1DC00] =	vst v63  }
.LBB2_2:
0x3b: {  	_ =	swait.ge [sflag:s31], $0x4000  }
0x3c: {  	[sflag:s31] =	ssyncset.done $0x0  }
0x3d: {  	s23 =	sadd.s32 s18, s14;
	p0 =	seq.s32 s18, $0x0;
	[sflag:s31] =	ssyncadd.s32 $0xFFFFC000  }
0x3e: {  	[hbm4b:s23+s3] =	stream.linear.scatter [tilespmem:s20], [sflag:$0x8], $0x4000, $0x38;
	[tilespmem:$0x1DC00] =	vst v63  }
0x3f: {  	s23 =	simm.s32 @!p0 $0xE  }
0x40: {  	s25 =	sshra.s32 @!p0 s21, $0x2;
	_ =	swait.ge @!p0 [sflag:s23], $0x4000  }
0x41: {  	s25 =	simm.s32 @p0 $0x0;
	[sflag:s23] =	ssyncset.done @!p0 $0x0  }
0x42: {  	s25 =	sadd.s32 $0x300, s25;
	[sflag:s23] =	ssyncadd.s32 @!p0 $0xFFFFC000  }
0x43: {  	[tilespmem:s0], [sflag:$0x7] =	stream.indirect.gather [hbm4b:s1+s19], $0x80, s25, s19, $0xb8;
	[tilespmem:$0x1DC00] =	vst v63  }
0x44: {  	_ =	swait.ge [sflag:s2], $0x4000  }
0x45: {  	s28 =	sadd.s32 s18, s13;
	[sflag:s2] =	ssyncset.done $0x0  }
0x46: {  	s8 =	simm.s32 $0x5C00;
	s25 =	smov.u32 s21;
	[sflag:s2] =	ssyncadd.s32 $0xFFFFC000  }
0x47: {  	[hbm4b:s28+s3] =	stream.linear.scatter [tilespmem:s8], [sflag:$0x9], $0x4000, $0x38;
	[tilespmem:$0x1DC00] =	vst v63  }
0x48: {  	s25 =	simm.s32 @p0 $0x0;
	_ =	swait.ge [sflag:s15], $0x4000  }
0x49: {  	s23 =	sshra.s32 s25, $0x2;
	[sflag:s15] =	ssyncset.done $0x0  }
0x4a: {  	s25 =	sadd.s32 $0x380, s23;
	[sflag:s15] =	ssyncadd.s32 $0xFFFFC000  }
0x4b: {  	[tilespmem:s20], [sflag:$0x1] =	stream.indirect.gather [hbm4b:s1+s19], $0x80, s25, s19, $0xb8;
	[tilespmem:$0x1DC00] =	vst v63  }
0x4c: {  	_ =	swait.ge [sflag:s16], $0x4000  }
0x4d: {  	[sflag:s16] =	ssyncset.done $0x0  }
0x4e: {  	s8 =	sadd.s32 s18, s12;
	s28 =	simm.s32 $0x9C00;
	[sflag:s16] =	ssyncadd.s32 $0xFFFFC000  }
0x4f: {  	[hbm4b:s8+s3] =	stream.linear.scatter [tilespmem:s28], [sflag:$0xA], $0x4000, $0x38;
	[tilespmem:$0x1DC00] =	vst v63  }
0x50: {  	p0 =	seq.s32 s18, $0x2A0000;
	_ =	swait.ge [sflag:s17], $0x4000  }
0x51: {  	s25 =	sadd.s32 @!p0 $0x400, s23;
	[sflag:s17] =	ssyncset.done $0x0  }
0x52: {  	s28 =	simm.s32 @!p0 $0x80;
	s8 =	simm.s32 @!p0 $0x5C00;
	[sflag:s17] =	ssyncadd.s32 $0xFFFFC000  }
0x53: {  	[tilespmem:s8], [sflag:$0x2] =	stream.indirect.gather @!p0 [hbm4b:s1+s28], $0x80, s25, s28, $0xb8;
	[tilespmem:$0x1DC00] =	vst v63  }
0x54: {  	_ =	swait.ge [sflag:s22], $0x4000  }
0x55: {  	[sflag:s22] =	ssyncset.done $0x0  }
0x56: {  	s8 =	sadd.s32 s18, s11;
	s25 =	simm.s32 $0xDC00;
	[sflag:s22] =	ssyncadd.s32 $0xFFFFC000  }
0x57: {  	[hbm4b:s8+s3] =	stream.linear.scatter [tilespmem:s25], [sflag:$0xB], $0x4000, $0x38;
	[tilespmem:$0x1DC00] =	vst v63  }
0x58: {  	_ =	swait.ge [sflag:s24], $0x4000  }
0x59: {  	[sflag:s24] =	ssyncset.done $0x0  }
0x5a: {  	s8 =	sadd.s32 @!p0 $0x480, s23;
	s25 =	simm.s32 @!p0 $0x9C00;
	[sflag:s24] =	ssyncadd.s32 $0xFFFFC000  }
0x5b: {  	[tilespmem:s25], [sflag:$0x3] =	stream.indirect.gather @!p0 [hbm4b:s1+s28], $0x80, s8, s28, $0xb8;
	[tilespmem:$0x1DC00] =	vst v63  }
0x5c: {  	_ =	swait.ge [sflag:s26], $0x4000  }
0x5d: {  	[sflag:s26] =	ssyncset.done $0x0  }
0x5e: {  	s8 =	sadd.s32 s18, s10;
	s25 =	simm.s32 $0x11C00;
	[sflag:s26] =	ssyncadd.s32 $0xFFFFC000  }
0x5f: {  	[hbm4b:s8+s3] =	stream.linear.scatter [tilespmem:s25], [sflag:$0xC], $0x4000, $0x38;
	[tilespmem:$0x1DC00] =	vst v63  }
0x60: {  	_ =	swait.ge [sflag:s29], $0x4000  }
0x61: {  	[sflag:s29] =	ssyncset.done $0x0  }
0x62: {  	s8 =	sadd.s32 @!p0 $0x500, s23;
	s25 =	simm.s32 @!p0 $0xDC00;
	[sflag:s29] =	ssyncadd.s32 $0xFFFFC000  }
0x63: {  	[tilespmem:s25], [sflag:$0x4] =	stream.indirect.gather @!p0 [hbm4b:s1+s28], $0x80, s8, s28, $0xb8;
	[tilespmem:$0x1DC00] =	vst v63  }
0x64: {  	_ =	swait.ge [sflag:s5], $0x4000  }
0x65: {  	[sflag:s5] =	ssyncset.done $0x0  }
0x66: {  	s25 =	sadd.s32 s18, s9;
	[sflag:s5] =	ssyncadd.s32 $0xFFFFC000  }
0x67: {  	[hbm4b:s25+s3] =	stream.linear.scatter [tilespmem:s30], [sflag:$0xD], $0x4000, $0x38;
	[tilespmem:$0x1DC00] =	vst v63  }
0x68: {  	_ =	swait.ge [sflag:s6], $0x4000  }
0x69: {  	[sflag:s6] =	ssyncset.done $0x0  }
0x6a: {  	s8 =	sadd.s32 @!p0 $0x580, s23;
	s25 =	simm.s32 @!p0 $0x11C00;
	[sflag:s6] =	ssyncadd.s32 $0xFFFFC000  }
0x6b: {  	[tilespmem:s25], [sflag:$0x5] =	stream.indirect.gather @!p0 [hbm4b:s1+s28], $0x80, s8, s28, $0xb8;
	[tilespmem:$0x1DC00] =	vst v63  }
0x6c: {  	_ =	swait.ge [sflag:s4], $0x4000  }
0x6d: {  	[sflag:s4] =	ssyncset.done $0x0;
	s28 =	rddreg [dreg:$0x8]  }
.Ltmp2:
0x6e: {  	[sflag:s4] =	ssyncadd.s32 $0xFFFFC000;
	s8 =	sadd.s32 s18, s28;
	(pc) =	sbr.rel @p0 .LBB2_4-.Ltmp2, $4  }
0x6f: {  	[hbm4b:s8+s3] =	stream.linear.scatter [tilespmem:s0], [sflag:$0xE], $0x4000, $0x38;
	[tilespmem:$0x1DC00] =	vst v63  }
0x70: {  	_ =	swait.ge [sflag:s7], $0x4000  }
0x71: {  	[sflag:s7] =	ssyncset.done $0x0  }
0x72: {  	[sflag:s7] =	ssyncadd.s32 $0xFFFFC000  }
.Ltmp3:
0x73: {  	(pc) =	sbr.rel .LBB2_2-.Ltmp3, $3  }
0x74: {  	_ =	sdelay $0x1  }
0x75: {  	s8 =	sadd.s32 $0x600, s23;
	s21 =	sadd.s32 $0xE00, s21;
	s18 =	sadd.s32 $0x70000, s18  }
0x76: {  	[tilespmem:s30], [sflag:$0x6] =	stream.indirect.gather [hbm4b:s1+s19], $0x80, s8, s19, $0xb8;
	[tilespmem:$0x1DC00] =	vst v63  }
.LBB2_5:
0x77: {  	_ =	sfence.sel $0x180000  }
0x78: {  	[bflag:$0x0] =	sbarrier.arrive $0xFFFF  }
0x79: {  	_ =	strace $0x90000047  }
0x7a: {  	s0 =	stileid.u32;
	[bflag:$0x2] =	sbarrier.arrive $0xFFFF  }
0x7b: {  	p0 =	sne.s32 s0, $0x0;
	s0 =	rddreg [dreg:$0x3]  }
0x7c: {  	s0 =	sadd.s32 @!p0 $0x100000, s0  }
0x7d: {  	[sflag:s0] =	ssyncadd.tile.s32 @!p0 $0x1;
	_ =	shalt  }
.Lfunc_end2:
_tile_overlayer_lowered:
.L_overlay_start_2:
0x7e: {  	(tag) =	ssettag $0x2  }
0x7f: {  	s0 =	rddreg [dreg:$0x0];
	s2 =	stileid.u32  }
0x80: {  	s1 =	rddreg [dreg:$0x1];
	p0 =	sne.s32 s2, $0x0  }
0x81: {  	s3 =	rddreg [dreg:$0x2];
	[bflag:$0x3] =	sbarrier.arrive $0xFFFF;
	s2 =	simm.s32 @!p0 $0x1C0F  }
0x82: {  	[timem:s3], [sflag:s2] =	dma.local @!p0 [hbm:s0], s1  }
0x83: {  	s0 =	simm.s32 @!p0 $0xF  }
0x84: {  	_ =	swait.ge @!p0 [sflag:s0], s1  }
0x85: {  	s1 =	ssub.s32 @!p0 $0x0, s1;
	[sflag:s0] =	ssyncset.done @!p0 $0x0  }
0x86: {  	[sflag:s0] =	ssyncadd.s32 @!p0 s1  }
0x87: {  	[bflag:$0x3] =	sbarrier.arrive $0xFFFF  }
0x88: {  	_ =	shalt  }

</sc_bundles>
